<compile_context>
chip_gen: v7x
topology: tpu7x:2x2x1
jax: 0.10.2.dev20260603
libtpu: 0.0.44.dev20260713+nightly
codegen_flags: <defaults>
</compile_context>

<pallas_src>
import functools
import math

import jax
import jax.numpy as jnp
import numpy as np
from jax import lax
from jax.experimental import pallas as pl
from jax.experimental.pallas import tpu as pltpu
from jax.experimental.pallas import tpu_sc as plsc

N_EXP = 8
TOP_K = 2
TRAIN_CAPACITY = 1.25
MIN_CAPACITY = 4

SC_CORES = 1
SC_SUBCORES = 16
SC_LANES = 16
SC_TILES = SC_CORES * SC_SUBCORES


def _capacity(num_tokens: int) -> int:
    cap = math.floor(TOP_K * TRAIN_CAPACITY * num_tokens / N_EXP)
    cap += cap % 2
    return int(max(cap, MIN_CAPACITY))


def _pass_a_kernel(cap, x_ref, wg_ref, meta_ref, stats_ref, c0_ref, c1_ref,
                   tril_ref, eye_ref):
    i = pl.program_id(0)
    T = x_ref.shape[0]
    E = N_EXP

    @pl.when(i == 0)
    def _init():
        c0_ref[...] = jnp.zeros_like(c0_ref)
        c1_ref[...] = jnp.zeros_like(c1_ref)
        ir0 = lax.broadcasted_iota(jnp.int32, (T, T), 0)
        ic0 = lax.broadcasted_iota(jnp.int32, (T, T), 1)
        tril_ref[...] = (ir0 >= ic0).astype(jnp.float32)
        eye_ref[...] = (ir0 == ic0).astype(jnp.float32)

    logits = lax.dot_general(
        x_ref[:, 0, :], wg_ref[...],
        dimension_numbers=(((1,), (1,)), ((), ())),
        preferred_element_type=jnp.float32,
    )

    eidx = lax.broadcasted_iota(jnp.int32, (T, E), 1)
    neg_inf = jnp.float32(-jnp.inf)

    m0 = jnp.max(logits, axis=1, keepdims=True)
    e0 = jnp.min(jnp.where(logits == m0, eidx, E), axis=1, keepdims=True)
    l1 = jnp.where(eidx == e0, neg_inf, logits)
    m1 = jnp.max(l1, axis=1, keepdims=True)
    e1 = jnp.min(jnp.where(l1 == m1, eidx, E), axis=1, keepdims=True)

    z = jnp.exp(m1 - m0)
    w0 = 1.0 / (1.0 + z)
    w1 = z / (1.0 + z)

    oh0 = (eidx == e0).astype(jnp.int32)
    oh1 = (eidx == e1).astype(jnp.int32)
    both = jnp.concatenate([oh0, oh1], axis=1).astype(jnp.float32)
    cs = jnp.dot(tril_ref[...], both, preferred_element_type=jnp.float32)
    cs = cs.astype(jnp.int32)
    cs0 = cs[:, :E]
    cs1 = cs[:, E:]
    carry0 = c0_ref[...]
    carry1 = c1_ref[...]
    masked = jnp.concatenate(
        [oh0 * (carry0 + cs0), oh1 * (carry1 + cs1)],
        axis=1).astype(jnp.float32)
    sel_r = lax.broadcasted_iota(jnp.int32, (2 * E, 2), 0)
    sel_c = lax.broadcasted_iota(jnp.int32, (2 * E, 2), 1)
    sel = ((sel_r < E) == (sel_c == 0)).astype(jnp.float32)
    ranks = lax.dot_general(
        masked, sel, dimension_numbers=(((1,), (0,)), ((), ())),
        precision=lax.Precision.HIGHEST,
        preferred_element_type=jnp.float32)
    r0 = ranks[:, 0:1].astype(jnp.int32) - 1
    p1 = ranks[:, 1:2].astype(jnp.int32) - 1
    new_c0 = carry0 + cs0[T - 1:T, :]
    new_c1 = carry1 + cs1[T - 1:T, :]
    c0_ref[...] = new_c0
    c1_ref[...] = new_c1

    zf = jnp.zeros((T, 1), jnp.float32)
    mcols = jnp.concatenate(
        [e0.astype(jnp.float32), e1.astype(jnp.float32),
         r0.astype(jnp.float32), p1.astype(jnp.float32), w0, w1, zf, zf],
        axis=1)
    meta_ref[...] = lax.dot_general(
        mcols, eye_ref[...], dimension_numbers=(((0,), (0,)), ((), ())),
        precision=lax.Precision.HIGHEST,
        preferred_element_type=jnp.float32)

    zi = jnp.zeros((1, 16 - E), jnp.int32)
    row0 = jnp.concatenate([new_c0, zi], axis=1)
    row1 = jnp.concatenate(
        [jnp.minimum(new_c0 + new_c1, jnp.int32(cap)), zi], axis=1)
    stats_ref[...] = jnp.concatenate([row0, row1], axis=0)


def _sc_scatter_body(N, cap, meta_hbm, stats_hbm, a_init_hbm, v_init_hbm,
                     a_out, v_out,
                     meta_v, tot_v, si0_v, si1_v, ai0_v, ai1_v,
                     vv0_v, vv1_v, a_sh, v_sh, sem):
    E = N_EXP
    L = SC_LANES
    tok_per_tile = N // SC_TILES
    nch = tok_per_tile // L
    tbl = E * cap

    wid = lax.axis_index("s") * SC_CORES + lax.axis_index("c")
    base = wid * tok_per_tile

    @pl.when(wid == 0)
    def _init_tables():
        pltpu.sync_copy(a_init_hbm, a_sh)
        pltpu.sync_copy(v_init_hbm, v_sh)

    copies = [
        pltpu.make_async_copy(
            meta_hbm.at[r, pl.ds(base, tok_per_tile)],
            meta_v.at[pl.ds(r * tok_per_tile, tok_per_tile)],
            sem)
        for r in range(6)
    ]
    copies.append(
        pltpu.make_async_copy(stats_hbm.at[0, pl.ds(0, 16)], tot_v, sem))
    for cp in copies:
        cp.start()
    for cp in copies:
        cp.wait()

    for c in range(nch):
        off = c * L
        e0 = meta_v[pl.ds(0 * tok_per_tile + off, L)].astype(jnp.int32)
        e1 = meta_v[pl.ds(1 * tok_per_tile + off, L)].astype(jnp.int32)
        r0 = meta_v[pl.ds(2 * tok_per_tile + off, L)].astype(jnp.int32)
        p1 = meta_v[pl.ds(3 * tok_per_tile + off, L)].astype(jnp.int32)
        w0 = meta_v[pl.ds(4 * tok_per_tile + off, L)]
        w1 = meta_v[pl.ds(5 * tok_per_tile + off, L)]

        totv = tot_v[...]
        tot_e1 = lax.gather(
            totv, e1[:, None],
            dimension_numbers=lax.GatherDimensionNumbers(
                offset_dims=(), collapsed_slice_dims=(0,),
                start_index_map=(0,)),
            slice_sizes=(1,),
            mode=lax.GatherScatterMode.PROMISE_IN_BOUNDS)
        rank1 = p1 + tot_e1
        n = base + off + lax.iota(jnp.int32, L)

        keep0 = r0 < cap
        keep1 = rank1 < cap
        dump0 = tbl + wid * (2 * tok_per_tile) + off + lax.iota(jnp.int32, L)
        dump1 = dump0 + tok_per_tile
        slot0 = jnp.where(keep0, e0 * cap + r0, dump0)
        slot1 = jnp.where(keep1, e1 * cap + rank1, dump1)

        si0_v[pl.ds(off, L)] = slot0
        si1_v[pl.ds(off, L)] = slot1
        ai0_v[pl.ds(off, L)] = n
        ai1_v[pl.ds(off, L)] = n
        vv0_v[pl.ds(off, L)] = w0
        vv1_v[pl.ds(off, L)] = w1

    plsc.subcore_barrier()
    scat = [
        pltpu.make_async_copy(ai0_v, a_sh.at[si0_v], sem),
        pltpu.make_async_copy(ai1_v, a_sh.at[si1_v], sem),
        pltpu.make_async_copy(vv0_v, v_sh.at[si0_v], sem),
        pltpu.make_async_copy(vv1_v, v_sh.at[si1_v], sem),
    ]
    for cp in scat:
        cp.start()
    for cp in scat:
        cp.wait()
    plsc.subcore_barrier()

    @pl.when(wid == 0)
    def _ship_out():
        out_copies = [
            pltpu.make_async_copy(a_sh.at[pl.ds(0, tbl)], a_out, sem),
            pltpu.make_async_copy(v_sh.at[pl.ds(0, tbl)], v_out, sem),
        ]
        for cp in out_copies:
            cp.start()
        for cp in out_copies:
            cp.wait()


def _pass_c_kernel(cap, a_ref, v_ref, cb_ref, mask_ref):
    T = cb_ref.shape[0]
    E = N_EXP
    i = pl.program_id(0)

    a2 = a_ref[...]
    v2 = v_ref[...]
    nz2 = v2 != 0.0

    n3 = (i * T
          + lax.broadcasted_iota(jnp.int32, (T, E, cap), 0))
    hit = a2[None, :, :] == n3
    cbv = jnp.where(hit, v2[None, :, :], jnp.float32(0.0))
    cb_ref[...] = cbv
    mask_ref[...] = (hit & nz2[None, :, :]).astype(jnp.int8)


def kernel(x, W_g):
    N = x.shape[0]
    D = x.shape[2]
    E = N_EXP
    cap = _capacity(N)

    TA = 512
    nb_a = N // TA
    meta, stats = pl.pallas_call(
        functools.partial(_pass_a_kernel, cap),
        grid=(nb_a,),
        in_specs=[
            pl.BlockSpec((TA, 1, D), lambda i: (i, 0, 0)),
            pl.BlockSpec((E, D), lambda i: (0, 0)),
        ],
        out_specs=[
            pl.BlockSpec((8, TA), lambda i: (0, i)),
            pl.BlockSpec((2, 16), lambda i: (0, 0)),
        ],
        out_shape=[
            jax.ShapeDtypeStruct((8, N), jnp.float32),
            jax.ShapeDtypeStruct((2, 16), jnp.int32),
        ],
        scratch_shapes=[
            pltpu.VMEM((1, E), jnp.int32),
            pltpu.VMEM((1, E), jnp.int32),
            pltpu.VMEM((TA, TA), jnp.float32),
            pltpu.VMEM((TA, TA), jnp.float32),
        ],
    )(x, W_g)

    tok_per_tile = N // SC_TILES
    tbl_sz = E * cap + SC_TILES * 2 * tok_per_tile
    mesh = plsc.VectorSubcoreMesh(
        core_axis_name="c", subcore_axis_name="s",
        num_cores=SC_CORES, num_subcores=SC_SUBCORES)
    sc_scatter = pl.kernel(
        functools.partial(_sc_scatter_body, N, cap),
        out_type=(
            jax.ShapeDtypeStruct((E * cap,), jnp.int32),
            jax.ShapeDtypeStruct((E * cap,), jnp.float32),
        ),
        mesh=mesh,
        scratch_types=[
            pltpu.VMEM((6 * tok_per_tile,), jnp.float32),
            pltpu.VMEM((16,), jnp.int32),
            pltpu.VMEM((tok_per_tile,), jnp.int32),
            pltpu.VMEM((tok_per_tile,), jnp.int32),
            pltpu.VMEM((tok_per_tile,), jnp.int32),
            pltpu.VMEM((tok_per_tile,), jnp.int32),
            pltpu.VMEM((tok_per_tile,), jnp.float32),
            pltpu.VMEM((tok_per_tile,), jnp.float32),
            pltpu.VMEM_SHARED((tbl_sz,), jnp.int32),
            pltpu.VMEM_SHARED((tbl_sz,), jnp.float32),
            pltpu.SemaphoreType.DMA,
        ],
    )

    a_init = jnp.asarray(np.full((tbl_sz,), -1, np.int32))
    v_init = jnp.asarray(np.zeros((tbl_sz,), np.float32))
    a_flat, v_flat = sc_scatter(meta, stats, a_init, v_init)
    a_tbl = a_flat.reshape(E, cap)
    v_tbl = v_flat.reshape(E, cap)

    TC = 128
    nb_c = N // TC
    cb, mask8 = pl.pallas_call(
        functools.partial(_pass_c_kernel, cap),
        grid=(nb_c,),
        in_specs=[
            pl.BlockSpec((E, cap), lambda i: (0, 0)),
            pl.BlockSpec((E, cap), lambda i: (0, 0)),
        ],
        out_specs=[
            pl.BlockSpec((TC, E, cap), lambda i: (i, 0, 0)),
            pl.BlockSpec((TC, E, cap), lambda i: (i, 0, 0)),
        ],
        out_shape=[
            jax.ShapeDtypeStruct((N, E, cap), jnp.float32),
            jax.ShapeDtypeStruct((N, E, cap), jnp.int8),
        ],
    )(a_tbl, v_tbl)

    used_capacity = stats[1, :E]
    return used_capacity, cb, mask8.astype(jnp.bool_)

# --- scband reference (transcript-rebuilt; emitter-appended) ---
"""Pipeline reference for scband-router-19207093748098 (READ-ONLY COPY).

The authoritative reference and input builder live on the scoring server;
editing this copy changes nothing except your own understanding.
"""

import jax, jax.numpy as jnp
import numpy as np
import math

N_EMBD = 2048
N_EXP = 8
TOP_K = 2
TRAIN_CAPACITY = 1.25
MIN_CAPACITY = 4
NUM_TOKENS = 2048


def setup_inputs(seed=0) -> dict:
    key = jax.random.key(seed)
    k1, k2 = jax.random.split(key)
    x = jax.random.normal(k1, (NUM_TOKENS, 1, N_EMBD), dtype=jnp.float32)
    W_g = jax.random.normal(k2, (N_EXP, N_EMBD), dtype=jnp.float32) * (1.0 / np.sqrt(N_EMBD))
    return {"x": x, "W_g": W_g}


def _get_capacity(num_tokens):
    capacity = math.floor(TOP_K * TRAIN_CAPACITY * num_tokens / N_EXP)
    capacity += capacity % 2
    capacity = max(capacity, MIN_CAPACITY)
    return int(capacity)


def _router_forward(x, W_g):
    # x: [num_tokens, 1, n_embd] (3D path: B = num_tokens, T = 1)
    num_tokens = x.shape[0]
    logits = jnp.einsum('bte,ke->btk', x, W_g)  # [N, 1, E]
    top_k_logits, top_k_indices = jax.lax.top_k(logits, TOP_K)  # [N,1,k]
    # scatter top-k logits into -inf-filled tensor (exact since topk indices unique)
    oh = jax.nn.one_hot(top_k_indices, N_EXP, dtype=logits.dtype)  # [N,1,k,E]
    scattered = jnp.sum(oh * top_k_logits[..., None], axis=-2)  # [N,1,E]
    sel = jnp.sum(oh, axis=-2) > 0
    router_probs = jnp.where(sel, scattered, -jnp.inf)
    router_probs = jax.nn.softmax(router_probs, axis=-1)  # [N,1,E]
    exp_capacity = _get_capacity(num_tokens)
    exp_mask = jax.nn.one_hot(top_k_indices, N_EXP, dtype=jnp.int32)  # [N,1,k,E]
    exp_mask = exp_mask.reshape(num_tokens, TOP_K, N_EXP)
    exp_mask = jnp.transpose(exp_mask, (1, 0, 2))  # [k, N, E]
    exp_rank = exp_mask.reshape(TOP_K * num_tokens, N_EXP)
    exp_rank = jnp.cumsum(exp_rank, axis=0) - 1
    exp_rank = exp_rank.reshape(TOP_K, num_tokens, N_EXP)
    exp_mask = exp_mask * (exp_rank < exp_capacity).astype(jnp.int32)
    used_capacity = jnp.sum(exp_mask, axis=(0, 1))  # [E]
    exp_rank = jnp.sum(exp_mask * exp_rank, axis=-1)  # [k, N]
    router_probs = router_probs.reshape(num_tokens, N_EXP)[None, :, :]  # [1,N,E]
    exp_weights = exp_mask.astype(router_probs.dtype) * router_probs  # [k,N,E]
    exp_rank_sc = jax.nn.one_hot(exp_rank, exp_capacity, dtype=router_probs.dtype)  # [k,N,cap]
    cb_weight = jnp.sum(exp_weights[:, :, :, None] * exp_rank_sc[:, :, None, :], axis=0)  # [N,E,cap]
    sec_mask = cb_weight.astype(bool)
    return used_capacity, cb_weight, sec_mask


def reference(x, W_g):
    return _router_forward(x, W_g)

if __name__ == "__main__":
    import jax
    _d = setup_inputs()
    print(jax.jit(kernel)(*tuple(_d.values())))

</pallas_src>

<mosaic_0001>
#map = affine_map<(d0, d1) -> (0, 0)>
#map1 = affine_map<(d0, d1) -> (0)>
module attributes {stable_mosaic.version = 14 : i64} {
  func.func @_sc_scatter_body(%arg0: i32, %arg1: i32, %arg2: memref<8x2048xf32, #tpu.memory_space<hbm>>, %arg3: memref<2x16xi32, #tpu.memory_space<hbm>>, %arg4: memref<9216xi32, #tpu.memory_space<hbm>>, %arg5: memref<9216xf32, #tpu.memory_space<hbm>>, %arg6: memref<5120xi32, #tpu.memory_space<hbm>>, %arg7: memref<5120xf32, #tpu.memory_space<hbm>>, %arg8: memref<768xf32, #tpu.memory_space<vmem>>, %arg9: memref<16xi32, #tpu.memory_space<vmem>>, %arg10: memref<128xi32, #tpu.memory_space<vmem>>, %arg11: memref<128xi32, #tpu.memory_space<vmem>>, %arg12: memref<128xi32, #tpu.memory_space<vmem>>, %arg13: memref<128xi32, #tpu.memory_space<vmem>>, %arg14: memref<128xf32, #tpu.memory_space<vmem>>, %arg15: memref<128xf32, #tpu.memory_space<vmem>>, %arg16: memref<9216xi32, #tpu.memory_space<vmem_shared>>, %arg17: memref<9216xf32, #tpu.memory_space<vmem_shared>>, %arg18: memref<!tpu.dma_semaphore, #tpu.memory_space<semaphore_mem>>) attributes {dimension_semantics = [#tpu.dimension_semantics<core_parallel>, #tpu.dimension_semantics<subcore_parallel>], iteration_bounds = array<i64: 1, 16>, scalar_prefetch = 0 : i64, scratch_operands = 11 : i64, tpu.core_type = #tpu.core_type<sc_vector_subcore>, window_params = [{transform_indices = #map}, {transform_indices = #map}, {transform_indices = #map1}, {transform_indices = #map1}, {transform_indices = #map1}, {transform_indices = #map1}]} {
    %mul3A = arith.constant 1 : i32
    %mul3A_0 = arith.muli %arg1, %mul3A : i32
    %add3A = arith.addi %mul3A_0, %arg0 : i32
    %mul3A_1 = arith.constant 128 : i32
    %mul3A_2 = arith.muli %add3A, %mul3A_1 : i32
    %eq3A = arith.constant 0 : i32
    %eq3A_3 = arith.cmpi eq, %add3A, %eq3A : i32
    %convert_element_type3A = arith.extui %eq3A_3 : i1 to i32
    %cond3A = arith.constant 0 : i32
    %cond3A_4 = arith.cmpi ne, %convert_element_type3A, %cond3A : i32
    scf.if %cond3A_4 {
      "tpu.region"() ({
        %run_scoped3A = tpu.sem_alloc : memref<!tpu.dma_semaphore, #tpu.memory_space<semaphore_mem>>
        tpu.enqueue_dma source(%arg4 : memref<9216xi32, #tpu.memory_space<hbm>>) target(%arg16 : memref<9216xi32, #tpu.memory_space<vmem_shared>>) target_semaphore(%run_scoped3A : memref<!tpu.dma_semaphore, #tpu.memory_space<semaphore_mem>>)
        tpu.wait_dma2 semaphore(%run_scoped3A : memref<!tpu.dma_semaphore, #tpu.memory_space<semaphore_mem>>) src(%arg4 : memref<9216xi32, #tpu.memory_space<hbm>>) dst(%arg16 : memref<9216xi32, #tpu.memory_space<vmem_shared>>)
        tpu.yield
      }) : () -> ()
      "tpu.region"() ({
        %run_scoped3A = tpu.sem_alloc : memref<!tpu.dma_semaphore, #tpu.memory_space<semaphore_mem>>
        tpu.enqueue_dma source(%arg5 : memref<9216xf32, #tpu.memory_space<hbm>>) target(%arg17 : memref<9216xf32, #tpu.memory_space<vmem_shared>>) target_semaphore(%run_scoped3A : memref<!tpu.dma_semaphore, #tpu.memory_space<semaphore_mem>>)
        tpu.wait_dma2 semaphore(%run_scoped3A : memref<!tpu.dma_semaphore, #tpu.memory_space<semaphore_mem>>) src(%arg5 : memref<9216xf32, #tpu.memory_space<hbm>>) dst(%arg17 : memref<9216xf32, #tpu.memory_space<vmem_shared>>)
        tpu.yield
      }) : () -> ()
    } else {
    }
    %dma_start3A = arith.constant 0 : i32
    %dma_start3A_5 = arith.constant 0 : i32
    %dma_start3A_6 = tpu.memref_slice %arg8[%dma_start3A_5] : memref<768xf32, #tpu.memory_space<vmem>> -> memref<128xf32, #tpu.memory_space<vmem>>
    %dma_start3A_7 = tpu.memref_slice %arg2[%dma_start3A, %mul3A_2] : memref<8x2048xf32, #tpu.memory_space<hbm>> -> memref<1x128xf32, #tpu.memory_space<hbm>>
    %dma_start3A_8 = tpu.memref_squeeze %dma_start3A_7 : memref<1x128xf32, #tpu.memory_space<hbm>> -> memref<128xf32, #tpu.memory_space<hbm>>
    %dma_start3A_9 = arith.constant 0 : i32
    %dma_start3A_10 = tpu.memref_slice %arg8[%dma_start3A_9] : memref<768xf32, #tpu.memory_space<vmem>> -> memref<128xf32, #tpu.memory_space<vmem>>
    %dma_start3A_11 = tpu.memref_slice %arg2[%dma_start3A, %mul3A_2] : memref<8x2048xf32, #tpu.memory_space<hbm>> -> memref<1x128xf32, #tpu.memory_space<hbm>>
    %dma_start3A_12 = tpu.memref_squeeze %dma_start3A_11 : memref<1x128xf32, #tpu.memory_space<hbm>> -> memref<128xf32, #tpu.memory_space<hbm>>
    tpu.enqueue_dma source(%dma_start3A_12 : memref<128xf32, #tpu.memory_space<hbm>>) target(%dma_start3A_10 : memref<128xf32, #tpu.memory_space<vmem>>) target_semaphore(%arg18 : memref<!tpu.dma_semaphore, #tpu.memory_space<semaphore_mem>>)
    %dma_start3A_13 = arith.constant 1 : i32
    %dma_start3A_14 = arith.constant 128 : i32
    %dma_start3A_15 = tpu.memref_slice %arg8[%dma_start3A_14] : memref<768xf32, #tpu.memory_space<vmem>> -> memref<128xf32, #tpu.memory_space<vmem>>
    %dma_start3A_16 = tpu.memref_slice %arg2[%dma_start3A_13, %mul3A_2] : memref<8x2048xf32, #tpu.memory_space<hbm>> -> memref<1x128xf32, #tpu.memory_space<hbm>>
    %dma_start3A_17 = tpu.memref_squeeze %dma_start3A_16 : memref<1x128xf32, #tpu.memory_space<hbm>> -> memref<128xf32, #tpu.memory_space<hbm>>
    %dma_start3A_18 = arith.constant 128 : i32
    %dma_start3A_19 = tpu.memref_slice %arg8[%dma_start3A_18] : memref<768xf32, #tpu.memory_space<vmem>> -> memref<128xf32, #tpu.memory_space<vmem>>
    %dma_start3A_20 = tpu.memref_slice %arg2[%dma_start3A_13, %mul3A_2] : memref<8x2048xf32, #tpu.memory_space<hbm>> -> memref<1x128xf32, #tpu.memory_space<hbm>>
    %dma_start3A_21 = tpu.memref_squeeze %dma_start3A_20 : memref<1x128xf32, #tpu.memory_space<hbm>> -> memref<128xf32, #tpu.memory_space<hbm>>
    tpu.enqueue_dma source(%dma_start3A_21 : memref<128xf32, #tpu.memory_space<hbm>>) target(%dma_start3A_19 : memref<128xf32, #tpu.memory_space<vmem>>) target_semaphore(%arg18 : memref<!tpu.dma_semaphore, #tpu.memory_space<semaphore_mem>>)
    %dma_start3A_22 = arith.constant 2 : i32
    %dma_start3A_23 = arith.constant 256 : i32
    %dma_start3A_24 = tpu.memref_slice %arg8[%dma_start3A_23] : memref<768xf32, #tpu.memory_space<vmem>> -> memref<128xf32, #tpu.memory_space<vmem>>
    %dma_start3A_25 = tpu.memref_slice %arg2[%dma_start3A_22, %mul3A_2] : memref<8x2048xf32, #tpu.memory_space<hbm>> -> memref<1x128xf32, #tpu.memory_space<hbm>>
    %dma_start3A_26 = tpu.memref_squeeze %dma_start3A_25 : memref<1x128xf32, #tpu.memory_space<hbm>> -> memref<128xf32, #tpu.memory_space<hbm>>
    %dma_start3A_27 = arith.constant 256 : i32
    %dma_start3A_28 = tpu.memref_slice %arg8[%dma_start3A_27] : memref<768xf32, #tpu.memory_space<vmem>> -> memref<128xf32, #tpu.memory_space<vmem>>
    %dma_start3A_29 = tpu.memref_slice %arg2[%dma_start3A_22, %mul3A_2] : memref<8x2048xf32, #tpu.memory_space<hbm>> -> memref<1x128xf32, #tpu.memory_space<hbm>>
    %dma_start3A_30 = tpu.memref_squeeze %dma_start3A_29 : memref<1x128xf32, #tpu.memory_space<hbm>> -> memref<128xf32, #tpu.memory_space<hbm>>
    tpu.enqueue_dma source(%dma_start3A_30 : memref<128xf32, #tpu.memory_space<hbm>>) target(%dma_start3A_28 : memref<128xf32, #tpu.memory_space<vmem>>) target_semaphore(%arg18 : memref<!tpu.dma_semaphore, #tpu.memory_space<semaphore_mem>>)
    %dma_start3A_31 = arith.constant 3 : i32
    %dma_start3A_32 = arith.constant 384 : i32
    %dma_start3A_33 = tpu.memref_slice %arg8[%dma_start3A_32] : memref<768xf32, #tpu.memory_space<vmem>> -> memref<128xf32, #tpu.memory_space<vmem>>
    %dma_start3A_34 = tpu.memref_slice %arg2[%dma_start3A_31, %mul3A_2] : memref<8x2048xf32, #tpu.memory_space<hbm>> -> memref<1x128xf32, #tpu.memory_space<hbm>>
    %dma_start3A_35 = tpu.memref_squeeze %dma_start3A_34 : memref<1x128xf32, #tpu.memory_space<hbm>> -> memref<128xf32, #tpu.memory_space<hbm>>
    %dma_start3A_36 = arith.constant 384 : i32
    %dma_start3A_37 = tpu.memref_slice %arg8[%dma_start3A_36] : memref<768xf32, #tpu.memory_space<vmem>> -> memref<128xf32, #tpu.memory_space<vmem>>
    %dma_start3A_38 = tpu.memref_slice %arg2[%dma_start3A_31, %mul3A_2] : memref<8x2048xf32, #tpu.memory_space<hbm>> -> memref<1x128xf32, #tpu.memory_space<hbm>>
    %dma_start3A_39 = tpu.memref_squeeze %dma_start3A_38 : memref<1x128xf32, #tpu.memory_space<hbm>> -> memref<128xf32, #tpu.memory_space<hbm>>
    tpu.enqueue_dma source(%dma_start3A_39 : memref<128xf32, #tpu.memory_space<hbm>>) target(%dma_start3A_37 : memref<128xf32, #tpu.memory_space<vmem>>) target_semaphore(%arg18 : memref<!tpu.dma_semaphore, #tpu.memory_space<semaphore_mem>>)
    %dma_start3A_40 = arith.constant 4 : i32
    %dma_start3A_41 = arith.constant 512 : i32
    %dma_start3A_42 = tpu.memref_slice %arg8[%dma_start3A_41] : memref<768xf32, #tpu.memory_space<vmem>> -> memref<128xf32, #tpu.memory_space<vmem>>
    %dma_start3A_43 = tpu.memref_slice %arg2[%dma_start3A_40, %mul3A_2] : memref<8x2048xf32, #tpu.memory_space<hbm>> -> memref<1x128xf32, #tpu.memory_space<hbm>>
    %dma_start3A_44 = tpu.memref_squeeze %dma_start3A_43 : memref<1x128xf32, #tpu.memory_space<hbm>> -> memref<128xf32, #tpu.memory_space<hbm>>
    %dma_start3A_45 = arith.constant 512 : i32
    %dma_start3A_46 = tpu.memref_slice %arg8[%dma_start3A_45] : memref<768xf32, #tpu.memory_space<vmem>> -> memref<128xf32, #tpu.memory_space<vmem>>
    %dma_start3A_47 = tpu.memref_slice %arg2[%dma_start3A_40, %mul3A_2] : memref<8x2048xf32, #tpu.memory_space<hbm>> -> memref<1x128xf32, #tpu.memory_space<hbm>>
    %dma_start3A_48 = tpu.memref_squeeze %dma_start3A_47 : memref<1x128xf32, #tpu.memory_space<hbm>> -> memref<128xf32, #tpu.memory_space<hbm>>
    tpu.enqueue_dma source(%dma_start3A_48 : memref<128xf32, #tpu.memory_space<hbm>>) target(%dma_start3A_46 : memref<128xf32, #tpu.memory_space<vmem>>) target_semaphore(%arg18 : memref<!tpu.dma_semaphore, #tpu.memory_space<semaphore_mem>>)
    %dma_start3A_49 = arith.constant 5 : i32
    %dma_start3A_50 = arith.constant 640 : i32
    %dma_start3A_51 = tpu.memref_slice %arg8[%dma_start3A_50] : memref<768xf32, #tpu.memory_space<vmem>> -> memref<128xf32, #tpu.memory_space<vmem>>
    %dma_start3A_52 = tpu.memref_slice %arg2[%dma_start3A_49, %mul3A_2] : memref<8x2048xf32, #tpu.memory_space<hbm>> -> memref<1x128xf32, #tpu.memory_space<hbm>>
    %dma_start3A_53 = tpu.memref_squeeze %dma_start3A_52 : memref<1x128xf32, #tpu.memory_space<hbm>> -> memref<128xf32, #tpu.memory_space<hbm>>
    %dma_start3A_54 = arith.constant 640 : i32
    %dma_start3A_55 = tpu.memref_slice %arg8[%dma_start3A_54] : memref<768xf32, #tpu.memory_space<vmem>> -> memref<128xf32, #tpu.memory_space<vmem>>
    %dma_start3A_56 = tpu.memref_slice %arg2[%dma_start3A_49, %mul3A_2] : memref<8x2048xf32, #tpu.memory_space<hbm>> -> memref<1x128xf32, #tpu.memory_space<hbm>>
    %dma_start3A_57 = tpu.memref_squeeze %dma_start3A_56 : memref<1x128xf32, #tpu.memory_space<hbm>> -> memref<128xf32, #tpu.memory_space<hbm>>
    tpu.enqueue_dma source(%dma_start3A_57 : memref<128xf32, #tpu.memory_space<hbm>>) target(%dma_start3A_55 : memref<128xf32, #tpu.memory_space<vmem>>) target_semaphore(%arg18 : memref<!tpu.dma_semaphore, #tpu.memory_space<semaphore_mem>>)
    %dma_start3A_58 = arith.constant 0 : i32
    %dma_start3A_59 = arith.constant 0 : i32
    %dma_start3A_60 = tpu.memref_slice %arg3[%dma_start3A_58, %dma_start3A_59] : memref<2x16xi32, #tpu.memory_space<hbm>> -> memref<1x16xi32, #tpu.memory_space<hbm>>
    %dma_start3A_61 = tpu.memref_squeeze %dma_start3A_60 : memref<1x16xi32, #tpu.memory_space<hbm>> -> memref<16xi32, #tpu.memory_space<hbm>>
    %dma_start3A_62 = arith.constant 0 : i32
    %dma_start3A_63 = tpu.memref_slice %arg3[%dma_start3A_58, %dma_start3A_62] : memref<2x16xi32, #tpu.memory_space<hbm>> -> memref<1x16xi32, #tpu.memory_space<hbm>>
    %dma_start3A_64 = tpu.memref_squeeze %dma_start3A_63 : memref<1x16xi32, #tpu.memory_space<hbm>> -> memref<16xi32, #tpu.memory_space<hbm>>
    tpu.enqueue_dma source(%dma_start3A_64 : memref<16xi32, #tpu.memory_space<hbm>>) target(%arg9 : memref<16xi32, #tpu.memory_space<vmem>>) target_semaphore(%arg18 : memref<!tpu.dma_semaphore, #tpu.memory_space<semaphore_mem>>)
    %dma_wait3A = arith.constant 0 : i32
    %dma_wait3A_65 = arith.constant 0 : i32
    %dma_wait3A_66 = tpu.memref_slice %arg8[%dma_wait3A_65] : memref<768xf32, #tpu.memory_space<vmem>> -> memref<128xf32, #tpu.memory_space<vmem>>
    %dma_wait3A_67 = tpu.memref_slice %arg2[%dma_wait3A, %mul3A_2] : memref<8x2048xf32, #tpu.memory_space<hbm>> -> memref<1x128xf32, #tpu.memory_space<hbm>>
    %dma_wait3A_68 = tpu.memref_squeeze %dma_wait3A_67 : memref<1x128xf32, #tpu.memory_space<hbm>> -> memref<128xf32, #tpu.memory_space<hbm>>
    %dma_wait3A_69 = arith.constant 0 : i32
    %dma_wait3A_70 = tpu.memref_slice %arg8[%dma_wait3A_69] : memref<768xf32, #tpu.memory_space<vmem>> -> memref<128xf32, #tpu.memory_space<vmem>>
    %dma_wait3A_71 = tpu.memref_slice %arg2[%dma_wait3A, %mul3A_2] : memref<8x2048xf32, #tpu.memory_space<hbm>> -> memref<1x128xf32, #tpu.memory_space<hbm>>
    %dma_wait3A_72 = tpu.memref_squeeze %dma_wait3A_71 : memref<1x128xf32, #tpu.memory_space<hbm>> -> memref<128xf32, #tpu.memory_space<hbm>>
    tpu.wait_dma2 semaphore(%arg18 : memref<!tpu.dma_semaphore, #tpu.memory_space<semaphore_mem>>) src(%dma_wait3A_72 : memref<128xf32, #tpu.memory_space<hbm>>) dst(%dma_wait3A_70 : memref<128xf32, #tpu.memory_space<vmem>>)
    %dma_wait3A_73 = arith.constant 1 : i32
    %dma_wait3A_74 = arith.constant 128 : i32
    %dma_wait3A_75 = tpu.memref_slice %arg8[%dma_wait3A_74] : memref<768xf32, #tpu.memory_space<vmem>> -> memref<128xf32, #tpu.memory_space<vmem>>
    %dma_wait3A_76 = tpu.memref_slice %arg2[%dma_wait3A_73, %mul3A_2] : memref<8x2048xf32, #tpu.memory_space<hbm>> -> memref<1x128xf32, #tpu.memory_space<hbm>>
    %dma_wait3A_77 = tpu.memref_squeeze %dma_wait3A_76 : memref<1x128xf32, #tpu.memory_space<hbm>> -> memref<128xf32, #tpu.memory_space<hbm>>
    %dma_wait3A_78 = arith.constant 128 : i32
    %dma_wait3A_79 = tpu.memref_slice %arg8[%dma_wait3A_78] : memref<768xf32, #tpu.memory_space<vmem>> -> memref<128xf32, #tpu.memory_space<vmem>>
    %dma_wait3A_80 = tpu.memref_slice %arg2[%dma_wait3A_73, %mul3A_2] : memref<8x2048xf32, #tpu.memory_space<hbm>> -> memref<1x128xf32, #tpu.memory_space<hbm>>
    %dma_wait3A_81 = tpu.memref_squeeze %dma_wait3A_80 : memref<1x128xf32, #tpu.memory_space<hbm>> -> memref<128xf32, #tpu.memory_space<hbm>>
    tpu.wait_dma2 semaphore(%arg18 : memref<!tpu.dma_semaphore, #tpu.memory_space<semaphore_mem>>) src(%dma_wait3A_81 : memref<128xf32, #tpu.memory_space<hbm>>) dst(%dma_wait3A_79 : memref<128xf32, #tpu.memory_space<vmem>>)
    %dma_wait3A_82 = arith.constant 2 : i32
    %dma_wait3A_83 = arith.constant 256 : i32
    %dma_wait3A_84 = tpu.memref_slice %arg8[%dma_wait3A_83] : memref<768xf32, #tpu.memory_space<vmem>> -> memref<128xf32, #tpu.memory_space<vmem>>
    %dma_wait3A_85 = tpu.memref_slice %arg2[%dma_wait3A_82, %mul3A_2] : memref<8x2048xf32, #tpu.memory_space<hbm>> -> memref<1x128xf32, #tpu.memory_space<hbm>>
    %dma_wait3A_86 = tpu.memref_squeeze %dma_wait3A_85 : memref<1x128xf32, #tpu.memory_space<hbm>> -> memref<128xf32, #tpu.memory_space<hbm>>
    %dma_wait3A_87 = arith.constant 256 : i32
    %dma_wait3A_88 = tpu.memref_slice %arg8[%dma_wait3A_87] : memref<768xf32, #tpu.memory_space<vmem>> -> memref<128xf32, #tpu.memory_space<vmem>>
    %dma_wait3A_89 = tpu.memref_slice %arg2[%dma_wait3A_82, %mul3A_2] : memref<8x2048xf32, #tpu.memory_space<hbm>> -> memref<1x128xf32, #tpu.memory_space<hbm>>
    %dma_wait3A_90 = tpu.memref_squeeze %dma_wait3A_89 : memref<1x128xf32, #tpu.memory_space<hbm>> -> memref<128xf32, #tpu.memory_space<hbm>>
    tpu.wait_dma2 semaphore(%arg18 : memref<!tpu.dma_semaphore, #tpu.memory_space<semaphore_mem>>) src(%dma_wait3A_90 : memref<128xf32, #tpu.memory_space<hbm>>) dst(%dma_wait3A_88 : memref<128xf32, #tpu.memory_space<vmem>>)
    %dma_wait3A_91 = arith.constant 3 : i32
    %dma_wait3A_92 = arith.constant 384 : i32
    %dma_wait3A_93 = tpu.memref_slice %arg8[%dma_wait3A_92] : memref<768xf32, #tpu.memory_space<vmem>> -> memref<128xf32, #tpu.memory_space<vmem>>
    %dma_wait3A_94 = tpu.memref_slice %arg2[%dma_wait3A_91, %mul3A_2] : memref<8x2048xf32, #tpu.memory_space<hbm>> -> memref<1x128xf32, #tpu.memory_space<hbm>>
    %dma_wait3A_95 = tpu.memref_squeeze %dma_wait3A_94 : memref<1x128xf32, #tpu.memory_space<hbm>> -> memref<128xf32, #tpu.memory_space<hbm>>
    %dma_wait3A_96 = arith.constant 384 : i32
    %dma_wait3A_97 = tpu.memref_slice %arg8[%dma_wait3A_96] : memref<768xf32, #tpu.memory_space<vmem>> -> memref<128xf32, #tpu.memory_space<vmem>>
    %dma_wait3A_98 = tpu.memref_slice %arg2[%dma_wait3A_91, %mul3A_2] : memref<8x2048xf32, #tpu.memory_space<hbm>> -> memref<1x128xf32, #tpu.memory_space<hbm>>
    %dma_wait3A_99 = tpu.memref_squeeze %dma_wait3A_98 : memref<1x128xf32, #tpu.memory_space<hbm>> -> memref<128xf32, #tpu.memory_space<hbm>>
    tpu.wait_dma2 semaphore(%arg18 : memref<!tpu.dma_semaphore, #tpu.memory_space<semaphore_mem>>) src(%dma_wait3A_99 : memref<128xf32, #tpu.memory_space<hbm>>) dst(%dma_wait3A_97 : memref<128xf32, #tpu.memory_space<vmem>>)
    %dma_wait3A_100 = arith.constant 4 : i32
    %dma_wait3A_101 = arith.constant 512 : i32
    %dma_wait3A_102 = tpu.memref_slice %arg8[%dma_wait3A_101] : memref<768xf32, #tpu.memory_space<vmem>> -> memref<128xf32, #tpu.memory_space<vmem>>
    %dma_wait3A_103 = tpu.memref_slice %arg2[%dma_wait3A_100, %mul3A_2] : memref<8x2048xf32, #tpu.memory_space<hbm>> -> memref<1x128xf32, #tpu.memory_space<hbm>>
    %dma_wait3A_104 = tpu.memref_squeeze %dma_wait3A_103 : memref<1x128xf32, #tpu.memory_space<hbm>> -> memref<128xf32, #tpu.memory_space<hbm>>
    %dma_wait3A_105 = arith.constant 512 : i32
    %dma_wait3A_106 = tpu.memref_slice %arg8[%dma_wait3A_105] : memref<768xf32, #tpu.memory_space<vmem>> -> memref<128xf32, #tpu.memory_space<vmem>>
    %dma_wait3A_107 = tpu.memref_slice %arg2[%dma_wait3A_100, %mul3A_2] : memref<8x2048xf32, #tpu.memory_space<hbm>> -> memref<1x128xf32, #tpu.memory_space<hbm>>
    %dma_wait3A_108 = tpu.memref_squeeze %dma_wait3A_107 : memref<1x128xf32, #tpu.memory_space<hbm>> -> memref<128xf32, #tpu.memory_space<hbm>>
    tpu.wait_dma2 semaphore(%arg18 : memref<!tpu.dma_semaphore, #tpu.memory_space<semaphore_mem>>) src(%dma_wait3A_108 : memref<128xf32, #tpu.memory_space<hbm>>) dst(%dma_wait3A_106 : memref<128xf32, #tpu.memory_space<vmem>>)
    %dma_wait3A_109 = arith.constant 5 : i32
    %dma_wait3A_110 = arith.constant 640 : i32
    %dma_wait3A_111 = tpu.memref_slice %arg8[%dma_wait3A_110] : memref<768xf32, #tpu.memory_space<vmem>> -> memref<128xf32, #tpu.memory_space<vmem>>
    %dma_wait3A_112 = tpu.memref_slice %arg2[%dma_wait3A_109, %mul3A_2] : memref<8x2048xf32, #tpu.memory_space<hbm>> -> memref<1x128xf32, #tpu.memory_space<hbm>>
    %dma_wait3A_113 = tpu.memref_squeeze %dma_wait3A_112 : memref<1x128xf32, #tpu.memory_space<hbm>> -> memref<128xf32, #tpu.memory_space<hbm>>
    %dma_wait3A_114 = arith.constant 640 : i32
    %dma_wait3A_115 = tpu.memref_slice %arg8[%dma_wait3A_114] : memref<768xf32, #tpu.memory_space<vmem>> -> memref<128xf32, #tpu.memory_space<vmem>>
    %dma_wait3A_116 = tpu.memref_slice %arg2[%dma_wait3A_109, %mul3A_2] : memref<8x2048xf32, #tpu.memory_space<hbm>> -> memref<1x128xf32, #tpu.memory_space<hbm>>
    %dma_wait3A_117 = tpu.memref_squeeze %dma_wait3A_116 : memref<1x128xf32, #tpu.memory_space<hbm>> -> memref<128xf32, #tpu.memory_space<hbm>>
    tpu.wait_dma2 semaphore(%arg18 : memref<!tpu.dma_semaphore, #tpu.memory_space<semaphore_mem>>) src(%dma_wait3A_117 : memref<128xf32, #tpu.memory_space<hbm>>) dst(%dma_wait3A_115 : memref<128xf32, #tpu.memory_space<vmem>>)
    %dma_wait3A_118 = arith.constant 0 : i32
    %dma_wait3A_119 = arith.constant 0 : i32
    %dma_wait3A_120 = tpu.memref_slice %arg3[%dma_wait3A_118, %dma_wait3A_119] : memref<2x16xi32, #tpu.memory_space<hbm>> -> memref<1x16xi32, #tpu.memory_space<hbm>>
    %dma_wait3A_121 = tpu.memref_squeeze %dma_wait3A_120 : memref<1x16xi32, #tpu.memory_space<hbm>> -> memref<16xi32, #tpu.memory_space<hbm>>
    %dma_wait3A_122 = arith.constant 0 : i32
    %dma_wait3A_123 = tpu.memref_slice %arg3[%dma_wait3A_118, %dma_wait3A_122] : memref<2x16xi32, #tpu.memory_space<hbm>> -> memref<1x16xi32, #tpu.memory_space<hbm>>
    %dma_wait3A_124 = tpu.memref_squeeze %dma_wait3A_123 : memref<1x16xi32, #tpu.memory_space<hbm>> -> memref<16xi32, #tpu.memory_space<hbm>>
    tpu.wait_dma2 semaphore(%arg18 : memref<!tpu.dma_semaphore, #tpu.memory_space<semaphore_mem>>) src(%dma_wait3A_124 : memref<16xi32, #tpu.memory_space<hbm>>) dst(%arg9 : memref<16xi32, #tpu.memory_space<vmem>>)
    %get3A = arith.constant 0 : index
    %get3A_125 = tpu.vector_load %arg8[%get3A] {strides = array<i32>} : memref<768xf32, #tpu.memory_space<vmem>>, vector<16xf32>,
    %get3A_126 = vector.shape_cast %get3A_125 : vector<16xf32> to vector<16xf32>
    %convert_element_type3A_127 = arith.fptosi %get3A_126 : vector<16xf32> to vector<16xi32>
    %get3A_128 = arith.constant 128 : index
    %get3A_129 = tpu.vector_load %arg8[%get3A_128] {strides = array<i32>} : memref<768xf32, #tpu.memory_space<vmem>>, vector<16xf32>,
    %get3A_130 = vector.shape_cast %get3A_129 : vector<16xf32> to vector<16xf32>
    %convert_element_type3A_131 = arith.fptosi %get3A_130 : vector<16xf32> to vector<16xi32>
    %get3A_132 = arith.constant 256 : index
    %get3A_133 = tpu.vector_load %arg8[%get3A_132] {strides = array<i32>} : memref<768xf32, #tpu.memory_space<vmem>>, vector<16xf32>,
    %get3A_134 = vector.shape_cast %get3A_133 : vector<16xf32> to vector<16xf32>
    %convert_element_type3A_135 = arith.fptosi %get3A_134 : vector<16xf32> to vector<16xi32>
    %get3A_136 = arith.constant 384 : index
    %get3A_137 = tpu.vector_load %arg8[%get3A_136] {strides = array<i32>} : memref<768xf32, #tpu.memory_space<vmem>>, vector<16xf32>,
    %get3A_138 = vector.shape_cast %get3A_137 : vector<16xf32> to vector<16xf32>
    %convert_element_type3A_139 = arith.fptosi %get3A_138 : vector<16xf32> to vector<16xi32>
    %get3A_140 = arith.constant 512 : index
    %get3A_141 = tpu.vector_load %arg8[%get3A_140] {strides = array<i32>} : memref<768xf32, #tpu.memory_space<vmem>>, vector<16xf32>,
    %get3A_142 = vector.shape_cast %get3A_141 : vector<16xf32> to vector<16xf32>
    %get3A_143 = arith.constant 640 : index
    %get3A_144 = tpu.vector_load %arg8[%get3A_143] {strides = array<i32>} : memref<768xf32, #tpu.memory_space<vmem>>, vector<16xf32>,
    %get3A_145 = vector.shape_cast %get3A_144 : vector<16xf32> to vector<16xf32>
    %get3A_146 = arith.constant 0 : index
    %get3A_147 = tpu.vector_load %arg9[%get3A_146] {strides = array<i32>} : memref<16xi32, #tpu.memory_space<vmem>>, vector<16xi32>,
    %get3A_148 = vector.shape_cast %get3A_147 : vector<16xi32> to vector<16xi32>
    %broadcast_in_dim3A = vector.shape_cast %convert_element_type3A_131 : vector<16xi32> to vector<16x1xi32>
    %gather3A = vector.shape_cast %broadcast_in_dim3A : vector<16x1xi32> to vector<16xi32>
    %gather3A_149 = tpu.dynamic_gather %get3A_148[%gather3A] in [0] : vector<16xi32>, vector<16xi32> -> vector<16xi32>
    %add3A_150 = arith.addi %convert_element_type3A_139, %gather3A_149 : vector<16xi32>
    %add3A_151 = arith.constant 0 : i32
    %add3A_152 = arith.addi %mul3A_2, %add3A_151 : i32
    %iota3A = tpu.iota {dimensions = array<i32: 0>} : vector<16xi32>
    %add3A_153 = vector.broadcast %add3A_152 : i32 to vector<16xi32>
    %add3A_154 = arith.addi %add3A_153, %iota3A : vector<16xi32>
    %lt3A = arith.constant 640 : i32
    %lt3A_155 = vector.broadcast %lt3A : i32 to vector<16xi32>
    %lt3A_156 = arith.cmpi slt, %convert_element_type3A_135, %lt3A_155 : vector<16xi32>
    %lt3A_157 = arith.constant 640 : i32
    %lt3A_158 = vector.broadcast %lt3A_157 : i32 to vector<16xi32>
    %lt3A_159 = arith.cmpi slt, %add3A_150, %lt3A_158 : vector<16xi32>
    %mul3A_160 = arith.constant 256 : i32
    %mul3A_161 = arith.muli %add3A, %mul3A_160 : i32
    %add3A_162 = arith.constant 5120 : i32
    %add3A_163 = arith.addi %add3A_162, %mul3A_161 : i32
    %add3A_164 = arith.constant 0 : i32
    %add3A_165 = arith.addi %add3A_163, %add3A_164 : i32
    %iota3A_166 = tpu.iota {dimensions = array<i32: 0>} : vector<16xi32>
    %add3A_167 = vector.broadcast %add3A_165 : i32 to vector<16xi32>
    %add3A_168 = arith.addi %add3A_167, %iota3A_166 : vector<16xi32>
    %add3A_169 = arith.constant 128 : i32
    %add3A_170 = vector.broadcast %add3A_169 : i32 to vector<16xi32>
    %add3A_171 = arith.addi %add3A_168, %add3A_170 : vector<16xi32>
    %mul3A_172 = arith.constant 640 : i32
    %mul3A_173 = vector.broadcast %mul3A_172 : i32 to vector<16xi32>
    %mul3A_174 = arith.muli %convert_element_type3A_127, %mul3A_173 : vector<16xi32>
    %add3A_175 = arith.addi %mul3A_174, %convert_element_type3A_135 : vector<16xi32>
    %select_n3A = arith.select %lt3A_156, %add3A_175, %add3A_168 : vector<16xi1>, vector<16xi32>
    %mul3A_176 = arith.constant 640 : i32
    %mul3A_177 = vector.broadcast %mul3A_176 : i32 to vector<16xi32>
    %mul3A_178 = arith.muli %convert_element_type3A_131, %mul3A_177 : vector<16xi32>
    %add3A_179 = arith.addi %mul3A_178, %add3A_150 : vector<16xi32>
    %select_n3A_180 = arith.select %lt3A_159, %add3A_179, %add3A_171 : vector<16xi1>, vector<16xi32>
    %swap3A = arith.constant 0 : index
    %swap3A_181 = tpu.vector_load %arg10[%swap3A] {strides = array<i32>} : memref<128xi32, #tpu.memory_space<vmem>>, vector<16xi32>,
    %swap3A_182 = vector.shape_cast %swap3A_181 : vector<16xi32> to vector<16xi32>
    %swap3A_183 = vector.shape_cast %select_n3A : vector<16xi32> to vector<16xi32>
    tpu.vector_store %arg10[%swap3A], %swap3A_183 {strides = array<i32>} : memref<128xi32, #tpu.memory_space<vmem>>, vector<16xi32>,
    %swap3A_184 = arith.constant 0 : index
    %swap3A_185 = tpu.vector_load %arg11[%swap3A_184] {strides = array<i32>} : memref<128xi32, #tpu.memory_space<vmem>>, vector<16xi32>,
    %swap3A_186 = vector.shape_cast %swap3A_185 : vector<16xi32> to vector<16xi32>
    %swap3A_187 = vector.shape_cast %select_n3A_180 : vector<16xi32> to vector<16xi32>
    tpu.vector_store %arg11[%swap3A_184], %swap3A_187 {strides = array<i32>} : memref<128xi32, #tpu.memory_space<vmem>>, vector<16xi32>,
    %swap3A_188 = arith.constant 0 : index
    %swap3A_189 = tpu.vector_load %arg12[%swap3A_188] {strides = array<i32>} : memref<128xi32, #tpu.memory_space<vmem>>, vector<16xi32>,
    %swap3A_190 = vector.shape_cast %swap3A_189 : vector<16xi32> to vector<16xi32>
    %swap3A_191 = vector.shape_cast %add3A_154 : vector<16xi32> to vector<16xi32>
    tpu.vector_store %arg12[%swap3A_188], %swap3A_191 {strides = array<i32>} : memref<128xi32, #tpu.memory_space<vmem>>, vector<16xi32>,
    %swap3A_192 = arith.constant 0 : index
    %swap3A_193 = tpu.vector_load %arg13[%swap3A_192] {strides = array<i32>} : memref<128xi32, #tpu.memory_space<vmem>>, vector<16xi32>,
    %swap3A_194 = vector.shape_cast %swap3A_193 : vector<16xi32> to vector<16xi32>
    %swap3A_195 = vector.shape_cast %add3A_154 : vector<16xi32> to vector<16xi32>
    tpu.vector_store %arg13[%swap3A_192], %swap3A_195 {strides = array<i32>} : memref<128xi32, #tpu.memory_space<vmem>>, vector<16xi32>,
    %swap3A_196 = arith.constant 0 : index
    %swap3A_197 = tpu.vector_load %arg14[%swap3A_196] {strides = array<i32>} : memref<128xf32, #tpu.memory_space<vmem>>, vector<16xf32>,
    %swap3A_198 = vector.shape_cast %swap3A_197 : vector<16xf32> to vector<16xf32>
    %swap3A_199 = vector.shape_cast %get3A_142 : vector<16xf32> to vector<16xf32>
    tpu.vector_store %arg14[%swap3A_196], %swap3A_199 {strides = array<i32>} : memref<128xf32, #tpu.memory_space<vmem>>, vector<16xf32>,
    %swap3A_200 = arith.constant 0 : index
    %swap3A_201 = tpu.vector_load %arg15[%swap3A_200] {strides = array<i32>} : memref<128xf32, #tpu.memory_space<vmem>>, vector<16xf32>,
    %swap3A_202 = vector.shape_cast %swap3A_201 : vector<16xf32> to vector<16xf32>
    %swap3A_203 = vector.shape_cast %get3A_145 : vector<16xf32> to vector<16xf32>
    tpu.vector_store %arg15[%swap3A_200], %swap3A_203 {strides = array<i32>} : memref<128xf32, #tpu.memory_space<vmem>>, vector<16xf32>,
    %get3A_204 = arith.constant 16 : index
    %get3A_205 = tpu.vector_load %arg8[%get3A_204] {strides = array<i32>} : memref<768xf32, #tpu.memory_space<vmem>>, vector<16xf32>,
    %get3A_206 = vector.shape_cast %get3A_205 : vector<16xf32> to vector<16xf32>
    %convert_element_type3A_207 = arith.fptosi %get3A_206 : vector<16xf32> to vector<16xi32>
    %get3A_208 = arith.constant 144 : index
    %get3A_209 = tpu.vector_load %arg8[%get3A_208] {strides = array<i32>} : memref<768xf32, #tpu.memory_space<vmem>>, vector<16xf32>,
    %get3A_210 = vector.shape_cast %get3A_209 : vector<16xf32> to vector<16xf32>
    %convert_element_type3A_211 = arith.fptosi %get3A_210 : vector<16xf32> to vector<16xi32>
    %get3A_212 = arith.constant 272 : index
    %get3A_213 = tpu.vector_load %arg8[%get3A_212] {strides = array<i32>} : memref<768xf32, #tpu.memory_space<vmem>>, vector<16xf32>,
    %get3A_214 = vector.shape_cast %get3A_213 : vector<16xf32> to vector<16xf32>
    %convert_element_type3A_215 = arith.fptosi %get3A_214 : vector<16xf32> to vector<16xi32>
    %get3A_216 = arith.constant 400 : index
    %get3A_217 = tpu.vector_load %arg8[%get3A_216] {strides = array<i32>} : memref<768xf32, #tpu.memory_space<vmem>>, vector<16xf32>,
    %get3A_218 = vector.shape_cast %get3A_217 : vector<16xf32> to vector<16xf32>
    %convert_element_type3A_219 = arith.fptosi %get3A_218 : vector<16xf32> to vector<16xi32>
    %get3A_220 = arith.constant 528 : index
    %get3A_221 = tpu.vector_load %arg8[%get3A_220] {strides = array<i32>} : memref<768xf32, #tpu.memory_space<vmem>>, vector<16xf32>,
    %get3A_222 = vector.shape_cast %get3A_221 : vector<16xf32> to vector<16xf32>
    %get3A_223 = arith.constant 656 : index
    %get3A_224 = tpu.vector_load %arg8[%get3A_223] {strides = array<i32>} : memref<768xf32, #tpu.memory_space<vmem>>, vector<16xf32>,
    %get3A_225 = vector.shape_cast %get3A_224 : vector<16xf32> to vector<16xf32>
    %get3A_226 = arith.constant 0 : index
    %get3A_227 = tpu.vector_load %arg9[%get3A_226] {strides = array<i32>} : memref<16xi32, #tpu.memory_space<vmem>>, vector<16xi32>,
    %get3A_228 = vector.shape_cast %get3A_227 : vector<16xi32> to vector<16xi32>
    %broadcast_in_dim3A_229 = vector.shape_cast %convert_element_type3A_211 : vector<16xi32> to vector<16x1xi32>
    %gather3A_230 = vector.shape_cast %broadcast_in_dim3A_229 : vector<16x1xi32> to vector<16xi32>
    %gather3A_231 = tpu.dynamic_gather %get3A_228[%gather3A_230] in [0] : vector<16xi32>, vector<16xi32> -> vector<16xi32>
    %add3A_232 = arith.addi %convert_element_type3A_219, %gather3A_231 : vector<16xi32>
    %add3A_233 = arith.constant 16 : i32
    %add3A_234 = arith.addi %mul3A_2, %add3A_233 : i32
    %iota3A_235 = tpu.iota {dimensions = array<i32: 0>} : vector<16xi32>
    %add3A_236 = vector.broadcast %add3A_234 : i32 to vector<16xi32>
    %add3A_237 = arith.addi %add3A_236, %iota3A_235 : vector<16xi32>
    %lt3A_238 = arith.constant 640 : i32
    %lt3A_239 = vector.broadcast %lt3A_238 : i32 to vector<16xi32>
    %lt3A_240 = arith.cmpi slt, %convert_element_type3A_215, %lt3A_239 : vector<16xi32>
    %lt3A_241 = arith.constant 640 : i32
    %lt3A_242 = vector.broadcast %lt3A_241 : i32 to vector<16xi32>
    %lt3A_243 = arith.cmpi slt, %add3A_232, %lt3A_242 : vector<16xi32>
    %mul3A_244 = arith.constant 256 : i32
    %mul3A_245 = arith.muli %add3A, %mul3A_244 : i32
    %add3A_246 = arith.constant 5120 : i32
    %add3A_247 = arith.addi %add3A_246, %mul3A_245 : i32
    %add3A_248 = arith.constant 16 : i32
    %add3A_249 = arith.addi %add3A_247, %add3A_248 : i32
    %iota3A_250 = tpu.iota {dimensions = array<i32: 0>} : vector<16xi32>
    %add3A_251 = vector.broadcast %add3A_249 : i32 to vector<16xi32>
    %add3A_252 = arith.addi %add3A_251, %iota3A_250 : vector<16xi32>
    %add3A_253 = arith.constant 128 : i32
    %add3A_254 = vector.broadcast %add3A_253 : i32 to vector<16xi32>
    %add3A_255 = arith.addi %add3A_252, %add3A_254 : vector<16xi32>
    %mul3A_256 = arith.constant 640 : i32
    %mul3A_257 = vector.broadcast %mul3A_256 : i32 to vector<16xi32>
    %mul3A_258 = arith.muli %convert_element_type3A_207, %mul3A_257 : vector<16xi32>
    %add3A_259 = arith.addi %mul3A_258, %convert_element_type3A_215 : vector<16xi32>
    %select_n3A_260 = arith.select %lt3A_240, %add3A_259, %add3A_252 : vector<16xi1>, vector<16xi32>
    %mul3A_261 = arith.constant 640 : i32
    %mul3A_262 = vector.broadcast %mul3A_261 : i32 to vector<16xi32>
    %mul3A_263 = arith.muli %convert_element_type3A_211, %mul3A_262 : vector<16xi32>
    %add3A_264 = arith.addi %mul3A_263, %add3A_232 : vector<16xi32>
    %select_n3A_265 = arith.select %lt3A_243, %add3A_264, %add3A_255 : vector<16xi1>, vector<16xi32>
    %swap3A_266 = arith.constant 16 : index
    %swap3A_267 = tpu.vector_load %arg10[%swap3A_266] {strides = array<i32>} : memref<128xi32, #tpu.memory_space<vmem>>, vector<16xi32>,
    %swap3A_268 = vector.shape_cast %swap3A_267 : vector<16xi32> to vector<16xi32>
    %swap3A_269 = vector.shape_cast %select_n3A_260 : vector<16xi32> to vector<16xi32>
    tpu.vector_store %arg10[%swap3A_266], %swap3A_269 {strides = array<i32>} : memref<128xi32, #tpu.memory_space<vmem>>, vector<16xi32>,
    %swap3A_270 = arith.constant 16 : index
    %swap3A_271 = tpu.vector_load %arg11[%swap3A_270] {strides = array<i32>} : memref<128xi32, #tpu.memory_space<vmem>>, vector<16xi32>,
    %swap3A_272 = vector.shape_cast %swap3A_271 : vector<16xi32> to vector<16xi32>
    %swap3A_273 = vector.shape_cast %select_n3A_265 : vector<16xi32> to vector<16xi32>
    tpu.vector_store %arg11[%swap3A_270], %swap3A_273 {strides = array<i32>} : memref<128xi32, #tpu.memory_space<vmem>>, vector<16xi32>,
    %swap3A_274 = arith.constant 16 : index
    %swap3A_275 = tpu.vector_load %arg12[%swap3A_274] {strides = array<i32>} : memref<128xi32, #tpu.memory_space<vmem>>, vector<16xi32>,
    %swap3A_276 = vector.shape_cast %swap3A_275 : vector<16xi32> to vector<16xi32>
    %swap3A_277 = vector.shape_cast %add3A_237 : vector<16xi32> to vector<16xi32>
    tpu.vector_store %arg12[%swap3A_274], %swap3A_277 {strides = array<i32>} : memref<128xi32, #tpu.memory_space<vmem>>, vector<16xi32>,
    %swap3A_278 = arith.constant 16 : index
    %swap3A_279 = tpu.vector_load %arg13[%swap3A_278] {strides = array<i32>} : memref<128xi32, #tpu.memory_space<vmem>>, vector<16xi32>,
    %swap3A_280 = vector.shape_cast %swap3A_279 : vector<16xi32> to vector<16xi32>
    %swap3A_281 = vector.shape_cast %add3A_237 : vector<16xi32> to vector<16xi32>
    tpu.vector_store %arg13[%swap3A_278], %swap3A_281 {strides = array<i32>} : memref<128xi32, #tpu.memory_space<vmem>>, vector<16xi32>,
    %swap3A_282 = arith.constant 16 : index
    %swap3A_283 = tpu.vector_load %arg14[%swap3A_282] {strides = array<i32>} : memref<128xf32, #tpu.memory_space<vmem>>, vector<16xf32>,
    %swap3A_284 = vector.shape_cast %swap3A_283 : vector<16xf32> to vector<16xf32>
    %swap3A_285 = vector.shape_cast %get3A_222 : vector<16xf32> to vector<16xf32>
    tpu.vector_store %arg14[%swap3A_282], %swap3A_285 {strides = array<i32>} : memref<128xf32, #tpu.memory_space<vmem>>, vector<16xf32>,
    %swap3A_286 = arith.constant 16 : index
    %swap3A_287 = tpu.vector_load %arg15[%swap3A_286] {strides = array<i32>} : memref<128xf32, #tpu.memory_space<vmem>>, vector<16xf32>,
    %swap3A_288 = vector.shape_cast %swap3A_287 : vector<16xf32> to vector<16xf32>
    %swap3A_289 = vector.shape_cast %get3A_225 : vector<16xf32> to vector<16xf32>
    tpu.vector_store %arg15[%swap3A_286], %swap3A_289 {strides = array<i32>} : memref<128xf32, #tpu.memory_space<vmem>>, vector<16xf32>,
    %get3A_290 = arith.constant 32 : index
    %get3A_291 = tpu.vector_load %arg8[%get3A_290] {strides = array<i32>} : memref<768xf32, #tpu.memory_space<vmem>>, vector<16xf32>,
    %get3A_292 = vector.shape_cast %get3A_291 : vector<16xf32> to vector<16xf32>
    %convert_element_type3A_293 = arith.fptosi %get3A_292 : vector<16xf32> to vector<16xi32>
    %get3A_294 = arith.constant 160 : index
    %get3A_295 = tpu.vector_load %arg8[%get3A_294] {strides = array<i32>} : memref<768xf32, #tpu.memory_space<vmem>>, vector<16xf32>,
    %get3A_296 = vector.shape_cast %get3A_295 : vector<16xf32> to vector<16xf32>
    %convert_element_type3A_297 = arith.fptosi %get3A_296 : vector<16xf32> to vector<16xi32>
    %get3A_298 = arith.constant 288 : index
    %get3A_299 = tpu.vector_load %arg8[%get3A_298] {strides = array<i32>} : memref<768xf32, #tpu.memory_space<vmem>>, vector<16xf32>,
    %get3A_300 = vector.shape_cast %get3A_299 : vector<16xf32> to vector<16xf32>
    %convert_element_type3A_301 = arith.fptosi %get3A_300 : vector<16xf32> to vector<16xi32>
    %get3A_302 = arith.constant 416 : index
    %get3A_303 = tpu.vector_load %arg8[%get3A_302] {strides = array<i32>} : memref<768xf32, #tpu.memory_space<vmem>>, vector<16xf32>,
    %get3A_304 = vector.shape_cast %get3A_303 : vector<16xf32> to vector<16xf32>
    %convert_element_type3A_305 = arith.fptosi %get3A_304 : vector<16xf32> to vector<16xi32>
    %get3A_306 = arith.constant 544 : index
    %get3A_307 = tpu.vector_load %arg8[%get3A_306] {strides = array<i32>} : memref<768xf32, #tpu.memory_space<vmem>>, vector<16xf32>,
    %get3A_308 = vector.shape_cast %get3A_307 : vector<16xf32> to vector<16xf32>
    %get3A_309 = arith.constant 672 : index
    %get3A_310 = tpu.vector_load %arg8[%get3A_309] {strides = array<i32>} : memref<768xf32, #tpu.memory_space<vmem>>, vector<16xf32>,
    %get3A_311 = vector.shape_cast %get3A_310 : vector<16xf32> to vector<16xf32>
    %get3A_312 = arith.constant 0 : index
    %get3A_313 = tpu.vector_load %arg9[%get3A_312] {strides = array<i32>} : memref<16xi32, #tpu.memory_space<vmem>>, vector<16xi32>,
    %get3A_314 = vector.shape_cast %get3A_313 : vector<16xi32> to vector<16xi32>
    %broadcast_in_dim3A_315 = vector.shape_cast %convert_element_type3A_297 : vector<16xi32> to vector<16x1xi32>
    %gather3A_316 = vector.shape_cast %broadcast_in_dim3A_315 : vector<16x1xi32> to vector<16xi32>
    %gather3A_317 = tpu.dynamic_gather %get3A_314[%gather3A_316] in [0] : vector<16xi32>, vector<16xi32> -> vector<16xi32>
    %add3A_318 = arith.addi %convert_element_type3A_305, %gather3A_317 : vector<16xi32>
    %add3A_319 = arith.constant 32 : i32
    %add3A_320 = arith.addi %mul3A_2, %add3A_319 : i32
    %iota3A_321 = tpu.iota {dimensions = array<i32: 0>} : vector<16xi32>
    %add3A_322 = vector.broadcast %add3A_320 : i32 to vector<16xi32>
    %add3A_323 = arith.addi %add3A_322, %iota3A_321 : vector<16xi32>
    %lt3A_324 = arith.constant 640 : i32
    %lt3A_325 = vector.broadcast %lt3A_324 : i32 to vector<16xi32>
    %lt3A_326 = arith.cmpi slt, %convert_element_type3A_301, %lt3A_325 : vector<16xi32>
    %lt3A_327 = arith.constant 640 : i32
    %lt3A_328 = vector.broadcast %lt3A_327 : i32 to vector<16xi32>
    %lt3A_329 = arith.cmpi slt, %add3A_318, %lt3A_328 : vector<16xi32>
    %mul3A_330 = arith.constant 256 : i32
    %mul3A_331 = arith.muli %add3A, %mul3A_330 : i32
    %add3A_332 = arith.constant 5120 : i32
    %add3A_333 = arith.addi %add3A_332, %mul3A_331 : i32
    %add3A_334 = arith.constant 32 : i32
    %add3A_335 = arith.addi %add3A_333, %add3A_334 : i32
    %iota3A_336 = tpu.iota {dimensions = array<i32: 0>} : vector<16xi32>
    %add3A_337 = vector.broadcast %add3A_335 : i32 to vector<16xi32>
    %add3A_338 = arith.addi %add3A_337, %iota3A_336 : vector<16xi32>
    %add3A_339 = arith.constant 128 : i32
    %add3A_340 = vector.broadcast %add3A_339 : i32 to vector<16xi32>
    %add3A_341 = arith.addi %add3A_338, %add3A_340 : vector<16xi32>
    %mul3A_342 = arith.constant 640 : i32
    %mul3A_343 = vector.broadcast %mul3A_342 : i32 to vector<16xi32>
    %mul3A_344 = arith.muli %convert_element_type3A_293, %mul3A_343 : vector<16xi32>
    %add3A_345 = arith.addi %mul3A_344, %convert_element_type3A_301 : vector<16xi32>
    %select_n3A_346 = arith.select %lt3A_326, %add3A_345, %add3A_338 : vector<16xi1>, vector<16xi32>
    %mul3A_347 = arith.constant 640 : i32
    %mul3A_348 = vector.broadcast %mul3A_347 : i32 to vector<16xi32>
    %mul3A_349 = arith.muli %convert_element_type3A_297, %mul3A_348 : vector<16xi32>
    %add3A_350 = arith.addi %mul3A_349, %add3A_318 : vector<16xi32>
    %select_n3A_351 = arith.select %lt3A_329, %add3A_350, %add3A_341 : vector<16xi1>, vector<16xi32>
    %swap3A_352 = arith.constant 32 : index
    %swap3A_353 = tpu.vector_load %arg10[%swap3A_352] {strides = array<i32>} : memref<128xi32, #tpu.memory_space<vmem>>, vector<16xi32>,
    %swap3A_354 = vector.shape_cast %swap3A_353 : vector<16xi32> to vector<16xi32>
    %swap3A_355 = vector.shape_cast %select_n3A_346 : vector<16xi32> to vector<16xi32>
    tpu.vector_store %arg10[%swap3A_352], %swap3A_355 {strides = array<i32>} : memref<128xi32, #tpu.memory_space<vmem>>, vector<16xi32>,
    %swap3A_356 = arith.constant 32 : index
    %swap3A_357 = tpu.vector_load %arg11[%swap3A_356] {strides = array<i32>} : memref<128xi32, #tpu.memory_space<vmem>>, vector<16xi32>,
    %swap3A_358 = vector.shape_cast %swap3A_357 : vector<16xi32> to vector<16xi32>
    %swap3A_359 = vector.shape_cast %select_n3A_351 : vector<16xi32> to vector<16xi32>
    tpu.vector_store %arg11[%swap3A_356], %swap3A_359 {strides = array<i32>} : memref<128xi32, #tpu.memory_space<vmem>>, vector<16xi32>,
    %swap3A_360 = arith.constant 32 : index
    %swap3A_361 = tpu.vector_load %arg12[%swap3A_360] {strides = array<i32>} : memref<128xi32, #tpu.memory_space<vmem>>, vector<16xi32>,
    %swap3A_362 = vector.shape_cast %swap3A_361 : vector<16xi32> to vector<16xi32>
    %swap3A_363 = vector.shape_cast %add3A_323 : vector<16xi32> to vector<16xi32>
    tpu.vector_store %arg12[%swap3A_360], %swap3A_363 {strides = array<i32>} : memref<128xi32, #tpu.memory_space<vmem>>, vector<16xi32>,
    %swap3A_364 = arith.constant 32 : index
    %swap3A_365 = tpu.vector_load %arg13[%swap3A_364] {strides = array<i32>} : memref<128xi32, #tpu.memory_space<vmem>>, vector<16xi32>,
    %swap3A_366 = vector.shape_cast %swap3A_365 : vector<16xi32> to vector<16xi32>
    %swap3A_367 = vector.shape_cast %add3A_323 : vector<16xi32> to vector<16xi32>
    tpu.vector_store %arg13[%swap3A_364], %swap3A_367 {strides = array<i32>} : memref<128xi32, #tpu.memory_space<vmem>>, vector<16xi32>,
    %swap3A_368 = arith.constant 32 : index
    %swap3A_369 = tpu.vector_load %arg14[%swap3A_368] {strides = array<i32>} : memref<128xf32, #tpu.memory_space<vmem>>, vector<16xf32>,
    %swap3A_370 = vector.shape_cast %swap3A_369 : vector<16xf32> to vector<16xf32>
    %swap3A_371 = vector.shape_cast %get3A_308 : vector<16xf32> to vector<16xf32>
    tpu.vector_store %arg14[%swap3A_368], %swap3A_371 {strides = array<i32>} : memref<128xf32, #tpu.memory_space<vmem>>, vector<16xf32>,
    %swap3A_372 = arith.constant 32 : index
    %swap3A_373 = tpu.vector_load %arg15[%swap3A_372] {strides = array<i32>} : memref<128xf32, #tpu.memory_space<vmem>>, vector<16xf32>,
    %swap3A_374 = vector.shape_cast %swap3A_373 : vector<16xf32> to vector<16xf32>
    %swap3A_375 = vector.shape_cast %get3A_311 : vector<16xf32> to vector<16xf32>
    tpu.vector_store %arg15[%swap3A_372], %swap3A_375 {strides = array<i32>} : memref<128xf32, #tpu.memory_space<vmem>>, vector<16xf32>,
    %get3A_376 = arith.constant 48 : index
    %get3A_377 = tpu.vector_load %arg8[%get3A_376] {strides = array<i32>} : memref<768xf32, #tpu.memory_space<vmem>>, vector<16xf32>,
    %get3A_378 = vector.shape_cast %get3A_377 : vector<16xf32> to vector<16xf32>
    %convert_element_type3A_379 = arith.fptosi %get3A_378 : vector<16xf32> to vector<16xi32>
    %get3A_380 = arith.constant 176 : index
    %get3A_381 = tpu.vector_load %arg8[%get3A_380] {strides = array<i32>} : memref<768xf32, #tpu.memory_space<vmem>>, vector<16xf32>,
    %get3A_382 = vector.shape_cast %get3A_381 : vector<16xf32> to vector<16xf32>
    %convert_element_type3A_383 = arith.fptosi %get3A_382 : vector<16xf32> to vector<16xi32>
    %get3A_384 = arith.constant 304 : index
    %get3A_385 = tpu.vector_load %arg8[%get3A_384] {strides = array<i32>} : memref<768xf32, #tpu.memory_space<vmem>>, vector<16xf32>,
    %get3A_386 = vector.shape_cast %get3A_385 : vector<16xf32> to vector<16xf32>
    %convert_element_type3A_387 = arith.fptosi %get3A_386 : vector<16xf32> to vector<16xi32>
    %get3A_388 = arith.constant 432 : index
    %get3A_389 = tpu.vector_load %arg8[%get3A_388] {strides = array<i32>} : memref<768xf32, #tpu.memory_space<vmem>>, vector<16xf32>,
    %get3A_390 = vector.shape_cast %get3A_389 : vector<16xf32> to vector<16xf32>
    %convert_element_type3A_391 = arith.fptosi %get3A_390 : vector<16xf32> to vector<16xi32>
    %get3A_392 = arith.constant 560 : index
    %get3A_393 = tpu.vector_load %arg8[%get3A_392] {strides = array<i32>} : memref<768xf32, #tpu.memory_space<vmem>>, vector<16xf32>,
    %get3A_394 = vector.shape_cast %get3A_393 : vector<16xf32> to vector<16xf32>
    %get3A_395 = arith.constant 688 : index
    %get3A_396 = tpu.vector_load %arg8[%get3A_395] {strides = array<i32>} : memref<768xf32, #tpu.memory_space<vmem>>, vector<16xf32>,
    %get3A_397 = vector.shape_cast %get3A_396 : vector<16xf32> to vector<16xf32>
    %get3A_398 = arith.constant 0 : index
    %get3A_399 = tpu.vector_load %arg9[%get3A_398] {strides = array<i32>} : memref<16xi32, #tpu.memory_space<vmem>>, vector<16xi32>,
    %get3A_400 = vector.shape_cast %get3A_399 : vector<16xi32> to vector<16xi32>
    %broadcast_in_dim3A_401 = vector.shape_cast %convert_element_type3A_383 : vector<16xi32> to vector<16x1xi32>
    %gather3A_402 = vector.shape_cast %broadcast_in_dim3A_401 : vector<16x1xi32> to vector<16xi32>
    %gather3A_403 = tpu.dynamic_gather %get3A_400[%gather3A_402] in [0] : vector<16xi32>, vector<16xi32> -> vector<16xi32>
    %add3A_404 = arith.addi %convert_element_type3A_391, %gather3A_403 : vector<16xi32>
    %add3A_405 = arith.constant 48 : i32
    %add3A_406 = arith.addi %mul3A_2, %add3A_405 : i32
    %iota3A_407 = tpu.iota {dimensions = array<i32: 0>} : vector<16xi32>
    %add3A_408 = vector.broadcast %add3A_406 : i32 to vector<16xi32>
    %add3A_409 = arith.addi %add3A_408, %iota3A_407 : vector<16xi32>
    %lt3A_410 = arith.constant 640 : i32
    %lt3A_411 = vector.broadcast %lt3A_410 : i32 to vector<16xi32>
    %lt3A_412 = arith.cmpi slt, %convert_element_type3A_387, %lt3A_411 : vector<16xi32>
    %lt3A_413 = arith.constant 640 : i32
    %lt3A_414 = vector.broadcast %lt3A_413 : i32 to vector<16xi32>
    %lt3A_415 = arith.cmpi slt, %add3A_404, %lt3A_414 : vector<16xi32>
    %mul3A_416 = arith.constant 256 : i32
    %mul3A_417 = arith.muli %add3A, %mul3A_416 : i32
    %add3A_418 = arith.constant 5120 : i32
    %add3A_419 = arith.addi %add3A_418, %mul3A_417 : i32
    %add3A_420 = arith.constant 48 : i32
    %add3A_421 = arith.addi %add3A_419, %add3A_420 : i32
    %iota3A_422 = tpu.iota {dimensions = array<i32: 0>} : vector<16xi32>
    %add3A_423 = vector.broadcast %add3A_421 : i32 to vector<16xi32>
    %add3A_424 = arith.addi %add3A_423, %iota3A_422 : vector<16xi32>
    %add3A_425 = arith.constant 128 : i32
    %add3A_426 = vector.broadcast %add3A_425 : i32 to vector<16xi32>
    %add3A_427 = arith.addi %add3A_424, %add3A_426 : vector<16xi32>
    %mul3A_428 = arith.constant 640 : i32
    %mul3A_429 = vector.broadcast %mul3A_428 : i32 to vector<16xi32>
    %mul3A_430 = arith.muli %convert_element_type3A_379, %mul3A_429 : vector<16xi32>
    %add3A_431 = arith.addi %mul3A_430, %convert_element_type3A_387 : vector<16xi32>
    %select_n3A_432 = arith.select %lt3A_412, %add3A_431, %add3A_424 : vector<16xi1>, vector<16xi32>
    %mul3A_433 = arith.constant 640 : i32
    %mul3A_434 = vector.broadcast %mul3A_433 : i32 to vector<16xi32>
    %mul3A_435 = arith.muli %convert_element_type3A_383, %mul3A_434 : vector<16xi32>
    %add3A_436 = arith.addi %mul3A_435, %add3A_404 : vector<16xi32>
    %select_n3A_437 = arith.select %lt3A_415, %add3A_436, %add3A_427 : vector<16xi1>, vector<16xi32>
    %swap3A_438 = arith.constant 48 : index
    %swap3A_439 = tpu.vector_load %arg10[%swap3A_438] {strides = array<i32>} : memref<128xi32, #tpu.memory_space<vmem>>, vector<16xi32>,
    %swap3A_440 = vector.shape_cast %swap3A_439 : vector<16xi32> to vector<16xi32>
    %swap3A_441 = vector.shape_cast %select_n3A_432 : vector<16xi32> to vector<16xi32>
    tpu.vector_store %arg10[%swap3A_438], %swap3A_441 {strides = array<i32>} : memref<128xi32, #tpu.memory_space<vmem>>, vector<16xi32>,
    %swap3A_442 = arith.constant 48 : index
    %swap3A_443 = tpu.vector_load %arg11[%swap3A_442] {strides = array<i32>} : memref<128xi32, #tpu.memory_space<vmem>>, vector<16xi32>,
    %swap3A_444 = vector.shape_cast %swap3A_443 : vector<16xi32> to vector<16xi32>
    %swap3A_445 = vector.shape_cast %select_n3A_437 : vector<16xi32> to vector<16xi32>
    tpu.vector_store %arg11[%swap3A_442], %swap3A_445 {strides = array<i32>} : memref<128xi32, #tpu.memory_space<vmem>>, vector<16xi32>,
    %swap3A_446 = arith.constant 48 : index
    %swap3A_447 = tpu.vector_load %arg12[%swap3A_446] {strides = array<i32>} : memref<128xi32, #tpu.memory_space<vmem>>, vector<16xi32>,
    %swap3A_448 = vector.shape_cast %swap3A_447 : vector<16xi32> to vector<16xi32>
    %swap3A_449 = vector.shape_cast %add3A_409 : vector<16xi32> to vector<16xi32>
    tpu.vector_store %arg12[%swap3A_446], %swap3A_449 {strides = array<i32>} : memref<128xi32, #tpu.memory_space<vmem>>, vector<16xi32>,
    %swap3A_450 = arith.constant 48 : index
    %swap3A_451 = tpu.vector_load %arg13[%swap3A_450] {strides = array<i32>} : memref<128xi32, #tpu.memory_space<vmem>>, vector<16xi32>,
    %swap3A_452 = vector.shape_cast %swap3A_451 : vector<16xi32> to vector<16xi32>
    %swap3A_453 = vector.shape_cast %add3A_409 : vector<16xi32> to vector<16xi32>
    tpu.vector_store %arg13[%swap3A_450], %swap3A_453 {strides = array<i32>} : memref<128xi32, #tpu.memory_space<vmem>>, vector<16xi32>,
    %swap3A_454 = arith.constant 48 : index
    %swap3A_455 = tpu.vector_load %arg14[%swap3A_454] {strides = array<i32>} : memref<128xf32, #tpu.memory_space<vmem>>, vector<16xf32>,
    %swap3A_456 = vector.shape_cast %swap3A_455 : vector<16xf32> to vector<16xf32>
    %swap3A_457 = vector.shape_cast %get3A_394 : vector<16xf32> to vector<16xf32>
    tpu.vector_store %arg14[%swap3A_454], %swap3A_457 {strides = array<i32>} : memref<128xf32, #tpu.memory_space<vmem>>, vector<16xf32>,
    %swap3A_458 = arith.constant 48 : index
    %swap3A_459 = tpu.vector_load %arg15[%swap3A_458] {strides = array<i32>} : memref<128xf32, #tpu.memory_space<vmem>>, vector<16xf32>,
    %swap3A_460 = vector.shape_cast %swap3A_459 : vector<16xf32> to vector<16xf32>
    %swap3A_461 = vector.shape_cast %get3A_397 : vector<16xf32> to vector<16xf32>
    tpu.vector_store %arg15[%swap3A_458], %swap3A_461 {strides = array<i32>} : memref<128xf32, #tpu.memory_space<vmem>>, vector<16xf32>,
    %get3A_462 = arith.constant 64 : index
    %get3A_463 = tpu.vector_load %arg8[%get3A_462] {strides = array<i32>} : memref<768xf32, #tpu.memory_space<vmem>>, vector<16xf32>,
    %get3A_464 = vector.shape_cast %get3A_463 : vector<16xf32> to vector<16xf32>
    %convert_element_type3A_465 = arith.fptosi %get3A_464 : vector<16xf32> to vector<16xi32>
    %get3A_466 = arith.constant 192 : index
    %get3A_467 = tpu.vector_load %arg8[%get3A_466] {strides = array<i32>} : memref<768xf32, #tpu.memory_space<vmem>>, vector<16xf32>,
    %get3A_468 = vector.shape_cast %get3A_467 : vector<16xf32> to vector<16xf32>
    %convert_element_type3A_469 = arith.fptosi %get3A_468 : vector<16xf32> to vector<16xi32>
    %get3A_470 = arith.constant 320 : index
    %get3A_471 = tpu.vector_load %arg8[%get3A_470] {strides = array<i32>} : memref<768xf32, #tpu.memory_space<vmem>>, vector<16xf32>,
    %get3A_472 = vector.shape_cast %get3A_471 : vector<16xf32> to vector<16xf32>
    %convert_element_type3A_473 = arith.fptosi %get3A_472 : vector<16xf32> to vector<16xi32>
    %get3A_474 = arith.constant 448 : index
    %get3A_475 = tpu.vector_load %arg8[%get3A_474] {strides = array<i32>} : memref<768xf32, #tpu.memory_space<vmem>>, vector<16xf32>,
    %get3A_476 = vector.shape_cast %get3A_475 : vector<16xf32> to vector<16xf32>
    %convert_element_type3A_477 = arith.fptosi %get3A_476 : vector<16xf32> to vector<16xi32>
    %get3A_478 = arith.constant 576 : index
    %get3A_479 = tpu.vector_load %arg8[%get3A_478] {strides = array<i32>} : memref<768xf32, #tpu.memory_space<vmem>>, vector<16xf32>,
    %get3A_480 = vector.shape_cast %get3A_479 : vector<16xf32> to vector<16xf32>
    %get3A_481 = arith.constant 704 : index
    %get3A_482 = tpu.vector_load %arg8[%get3A_481] {strides = array<i32>} : memref<768xf32, #tpu.memory_space<vmem>>, vector<16xf32>,
    %get3A_483 = vector.shape_cast %get3A_482 : vector<16xf32> to vector<16xf32>
    %get3A_484 = arith.constant 0 : index
    %get3A_485 = tpu.vector_load %arg9[%get3A_484] {strides = array<i32>} : memref<16xi32, #tpu.memory_space<vmem>>, vector<16xi32>,
    %get3A_486 = vector.shape_cast %get3A_485 : vector<16xi32> to vector<16xi32>
    %broadcast_in_dim3A_487 = vector.shape_cast %convert_element_type3A_469 : vector<16xi32> to vector<16x1xi32>
    %gather3A_488 = vector.shape_cast %broadcast_in_dim3A_487 : vector<16x1xi32> to vector<16xi32>
    %gather3A_489 = tpu.dynamic_gather %get3A_486[%gather3A_488] in [0] : vector<16xi32>, vector<16xi32> -> vector<16xi32>
    %add3A_490 = arith.addi %convert_element_type3A_477, %gather3A_489 : vector<16xi32>
    %add3A_491 = arith.constant 64 : i32
    %add3A_492 = arith.addi %mul3A_2, %add3A_491 : i32
    %iota3A_493 = tpu.iota {dimensions = array<i32: 0>} : vector<16xi32>
    %add3A_494 = vector.broadcast %add3A_492 : i32 to vector<16xi32>
    %add3A_495 = arith.addi %add3A_494, %iota3A_493 : vector<16xi32>
    %lt3A_496 = arith.constant 640 : i32
    %lt3A_497 = vector.broadcast %lt3A_496 : i32 to vector<16xi32>
    %lt3A_498 = arith.cmpi slt, %convert_element_type3A_473, %lt3A_497 : vector<16xi32>
    %lt3A_499 = arith.constant 640 : i32
    %lt3A_500 = vector.broadcast %lt3A_499 : i32 to vector<16xi32>
    %lt3A_501 = arith.cmpi slt, %add3A_490, %lt3A_500 : vector<16xi32>
    %mul3A_502 = arith.constant 256 : i32
    %mul3A_503 = arith.muli %add3A, %mul3A_502 : i32
    %add3A_504 = arith.constant 5120 : i32
    %add3A_505 = arith.addi %add3A_504, %mul3A_503 : i32
    %add3A_506 = arith.constant 64 : i32
    %add3A_507 = arith.addi %add3A_505, %add3A_506 : i32
    %iota3A_508 = tpu.iota {dimensions = array<i32: 0>} : vector<16xi32>
    %add3A_509 = vector.broadcast %add3A_507 : i32 to vector<16xi32>
    %add3A_510 = arith.addi %add3A_509, %iota3A_508 : vector<16xi32>
    %add3A_511 = arith.constant 128 : i32
    %add3A_512 = vector.broadcast %add3A_511 : i32 to vector<16xi32>
    %add3A_513 = arith.addi %add3A_510, %add3A_512 : vector<16xi32>
    %mul3A_514 = arith.constant 640 : i32
    %mul3A_515 = vector.broadcast %mul3A_514 : i32 to vector<16xi32>
    %mul3A_516 = arith.muli %convert_element_type3A_465, %mul3A_515 : vector<16xi32>
    %add3A_517 = arith.addi %mul3A_516, %convert_element_type3A_473 : vector<16xi32>
    %select_n3A_518 = arith.select %lt3A_498, %add3A_517, %add3A_510 : vector<16xi1>, vector<16xi32>
    %mul3A_519 = arith.constant 640 : i32
    %mul3A_520 = vector.broadcast %mul3A_519 : i32 to vector<16xi32>
    %mul3A_521 = arith.muli %convert_element_type3A_469, %mul3A_520 : vector<16xi32>
    %add3A_522 = arith.addi %mul3A_521, %add3A_490 : vector<16xi32>
    %select_n3A_523 = arith.select %lt3A_501, %add3A_522, %add3A_513 : vector<16xi1>, vector<16xi32>
    %swap3A_524 = arith.constant 64 : index
    %swap3A_525 = tpu.vector_load %arg10[%swap3A_524] {strides = array<i32>} : memref<128xi32, #tpu.memory_space<vmem>>, vector<16xi32>,
    %swap3A_526 = vector.shape_cast %swap3A_525 : vector<16xi32> to vector<16xi32>
    %swap3A_527 = vector.shape_cast %select_n3A_518 : vector<16xi32> to vector<16xi32>
    tpu.vector_store %arg10[%swap3A_524], %swap3A_527 {strides = array<i32>} : memref<128xi32, #tpu.memory_space<vmem>>, vector<16xi32>,
    %swap3A_528 = arith.constant 64 : index
    %swap3A_529 = tpu.vector_load %arg11[%swap3A_528] {strides = array<i32>} : memref<128xi32, #tpu.memory_space<vmem>>, vector<16xi32>,
    %swap3A_530 = vector.shape_cast %swap3A_529 : vector<16xi32> to vector<16xi32>
    %swap3A_531 = vector.shape_cast %select_n3A_523 : vector<16xi32> to vector<16xi32>
    tpu.vector_store %arg11[%swap3A_528], %swap3A_531 {strides = array<i32>} : memref<128xi32, #tpu.memory_space<vmem>>, vector<16xi32>,
    %swap3A_532 = arith.constant 64 : index
    %swap3A_533 = tpu.vector_load %arg12[%swap3A_532] {strides = array<i32>} : memref<128xi32, #tpu.memory_space<vmem>>, vector<16xi32>,
    %swap3A_534 = vector.shape_cast %swap3A_533 : vector<16xi32> to vector<16xi32>
    %swap3A_535 = vector.shape_cast %add3A_495 : vector<16xi32> to vector<16xi32>
    tpu.vector_store %arg12[%swap3A_532], %swap3A_535 {strides = array<i32>} : memref<128xi32, #tpu.memory_space<vmem>>, vector<16xi32>,
    %swap3A_536 = arith.constant 64 : index
    %swap3A_537 = tpu.vector_load %arg13[%swap3A_536] {strides = array<i32>} : memref<128xi32, #tpu.memory_space<vmem>>, vector<16xi32>,
    %swap3A_538 = vector.shape_cast %swap3A_537 : vector<16xi32> to vector<16xi32>
    %swap3A_539 = vector.shape_cast %add3A_495 : vector<16xi32> to vector<16xi32>
    tpu.vector_store %arg13[%swap3A_536], %swap3A_539 {strides = array<i32>} : memref<128xi32, #tpu.memory_space<vmem>>, vector<16xi32>,
    %swap3A_540 = arith.constant 64 : index
    %swap3A_541 = tpu.vector_load %arg14[%swap3A_540] {strides = array<i32>} : memref<128xf32, #tpu.memory_space<vmem>>, vector<16xf32>,
    %swap3A_542 = vector.shape_cast %swap3A_541 : vector<16xf32> to vector<16xf32>
    %swap3A_543 = vector.shape_cast %get3A_480 : vector<16xf32> to vector<16xf32>
    tpu.vector_store %arg14[%swap3A_540], %swap3A_543 {strides = array<i32>} : memref<128xf32, #tpu.memory_space<vmem>>, vector<16xf32>,
    %swap3A_544 = arith.constant 64 : index
    %swap3A_545 = tpu.vector_load %arg15[%swap3A_544] {strides = array<i32>} : memref<128xf32, #tpu.memory_space<vmem>>, vector<16xf32>,
    %swap3A_546 = vector.shape_cast %swap3A_545 : vector<16xf32> to vector<16xf32>
    %swap3A_547 = vector.shape_cast %get3A_483 : vector<16xf32> to vector<16xf32>
    tpu.vector_store %arg15[%swap3A_544], %swap3A_547 {strides = array<i32>} : memref<128xf32, #tpu.memory_space<vmem>>, vector<16xf32>,
    %get3A_548 = arith.constant 80 : index
    %get3A_549 = tpu.vector_load %arg8[%get3A_548] {strides = array<i32>} : memref<768xf32, #tpu.memory_space<vmem>>, vector<16xf32>,
    %get3A_550 = vector.shape_cast %get3A_549 : vector<16xf32> to vector<16xf32>
    %convert_element_type3A_551 = arith.fptosi %get3A_550 : vector<16xf32> to vector<16xi32>
    %get3A_552 = arith.constant 208 : index
    %get3A_553 = tpu.vector_load %arg8[%get3A_552] {strides = array<i32>} : memref<768xf32, #tpu.memory_space<vmem>>, vector<16xf32>,
    %get3A_554 = vector.shape_cast %get3A_553 : vector<16xf32> to vector<16xf32>
    %convert_element_type3A_555 = arith.fptosi %get3A_554 : vector<16xf32> to vector<16xi32>
    %get3A_556 = arith.constant 336 : index
    %get3A_557 = tpu.vector_load %arg8[%get3A_556] {strides = array<i32>} : memref<768xf32, #tpu.memory_space<vmem>>, vector<16xf32>,
    %get3A_558 = vector.shape_cast %get3A_557 : vector<16xf32> to vector<16xf32>
    %convert_element_type3A_559 = arith.fptosi %get3A_558 : vector<16xf32> to vector<16xi32>
    %get3A_560 = arith.constant 464 : index
    %get3A_561 = tpu.vector_load %arg8[%get3A_560] {strides = array<i32>} : memref<768xf32, #tpu.memory_space<vmem>>, vector<16xf32>,
    %get3A_562 = vector.shape_cast %get3A_561 : vector<16xf32> to vector<16xf32>
    %convert_element_type3A_563 = arith.fptosi %get3A_562 : vector<16xf32> to vector<16xi32>
    %get3A_564 = arith.constant 592 : index
    %get3A_565 = tpu.vector_load %arg8[%get3A_564] {strides = array<i32>} : memref<768xf32, #tpu.memory_space<vmem>>, vector<16xf32>,
    %get3A_566 = vector.shape_cast %get3A_565 : vector<16xf32> to vector<16xf32>
    %get3A_567 = arith.constant 720 : index
    %get3A_568 = tpu.vector_load %arg8[%get3A_567] {strides = array<i32>} : memref<768xf32, #tpu.memory_space<vmem>>, vector<16xf32>,
    %get3A_569 = vector.shape_cast %get3A_568 : vector<16xf32> to vector<16xf32>
    %get3A_570 = arith.constant 0 : index
    %get3A_571 = tpu.vector_load %arg9[%get3A_570] {strides = array<i32>} : memref<16xi32, #tpu.memory_space<vmem>>, vector<16xi32>,
    %get3A_572 = vector.shape_cast %get3A_571 : vector<16xi32> to vector<16xi32>
    %broadcast_in_dim3A_573 = vector.shape_cast %convert_element_type3A_555 : vector<16xi32> to vector<16x1xi32>
    %gather3A_574 = vector.shape_cast %broadcast_in_dim3A_573 : vector<16x1xi32> to vector<16xi32>
    %gather3A_575 = tpu.dynamic_gather %get3A_572[%gather3A_574] in [0] : vector<16xi32>, vector<16xi32> -> vector<16xi32>
    %add3A_576 = arith.addi %convert_element_type3A_563, %gather3A_575 : vector<16xi32>
    %add3A_577 = arith.constant 80 : i32
    %add3A_578 = arith.addi %mul3A_2, %add3A_577 : i32
    %iota3A_579 = tpu.iota {dimensions = array<i32: 0>} : vector<16xi32>
    %add3A_580 = vector.broadcast %add3A_578 : i32 to vector<16xi32>
    %add3A_581 = arith.addi %add3A_580, %iota3A_579 : vector<16xi32>
    %lt3A_582 = arith.constant 640 : i32
    %lt3A_583 = vector.broadcast %lt3A_582 : i32 to vector<16xi32>
    %lt3A_584 = arith.cmpi slt, %convert_element_type3A_559, %lt3A_583 : vector<16xi32>
    %lt3A_585 = arith.constant 640 : i32
    %lt3A_586 = vector.broadcast %lt3A_585 : i32 to vector<16xi32>
    %lt3A_587 = arith.cmpi slt, %add3A_576, %lt3A_586 : vector<16xi32>
    %mul3A_588 = arith.constant 256 : i32
    %mul3A_589 = arith.muli %add3A, %mul3A_588 : i32
    %add3A_590 = arith.constant 5120 : i32
    %add3A_591 = arith.addi %add3A_590, %mul3A_589 : i32
    %add3A_592 = arith.constant 80 : i32
    %add3A_593 = arith.addi %add3A_591, %add3A_592 : i32
    %iota3A_594 = tpu.iota {dimensions = array<i32: 0>} : vector<16xi32>
    %add3A_595 = vector.broadcast %add3A_593 : i32 to vector<16xi32>
    %add3A_596 = arith.addi %add3A_595, %iota3A_594 : vector<16xi32>
    %add3A_597 = arith.constant 128 : i32
    %add3A_598 = vector.broadcast %add3A_597 : i32 to vector<16xi32>
    %add3A_599 = arith.addi %add3A_596, %add3A_598 : vector<16xi32>
    %mul3A_600 = arith.constant 640 : i32
    %mul3A_601 = vector.broadcast %mul3A_600 : i32 to vector<16xi32>
    %mul3A_602 = arith.muli %convert_element_type3A_551, %mul3A_601 : vector<16xi32>
    %add3A_603 = arith.addi %mul3A_602, %convert_element_type3A_559 : vector<16xi32>
    %select_n3A_604 = arith.select %lt3A_584, %add3A_603, %add3A_596 : vector<16xi1>, vector<16xi32>
    %mul3A_605 = arith.constant 640 : i32
    %mul3A_606 = vector.broadcast %mul3A_605 : i32 to vector<16xi32>
    %mul3A_607 = arith.muli %convert_element_type3A_555, %mul3A_606 : vector<16xi32>
    %add3A_608 = arith.addi %mul3A_607, %add3A_576 : vector<16xi32>
    %select_n3A_609 = arith.select %lt3A_587, %add3A_608, %add3A_599 : vector<16xi1>, vector<16xi32>
    %swap3A_610 = arith.constant 80 : index
    %swap3A_611 = tpu.vector_load %arg10[%swap3A_610] {strides = array<i32>} : memref<128xi32, #tpu.memory_space<vmem>>, vector<16xi32>,
    %swap3A_612 = vector.shape_cast %swap3A_611 : vector<16xi32> to vector<16xi32>
    %swap3A_613 = vector.shape_cast %select_n3A_604 : vector<16xi32> to vector<16xi32>
    tpu.vector_store %arg10[%swap3A_610], %swap3A_613 {strides = array<i32>} : memref<128xi32, #tpu.memory_space<vmem>>, vector<16xi32>,
    %swap3A_614 = arith.constant 80 : index
    %swap3A_615 = tpu.vector_load %arg11[%swap3A_614] {strides = array<i32>} : memref<128xi32, #tpu.memory_space<vmem>>, vector<16xi32>,
    %swap3A_616 = vector.shape_cast %swap3A_615 : vector<16xi32> to vector<16xi32>
    %swap3A_617 = vector.shape_cast %select_n3A_609 : vector<16xi32> to vector<16xi32>
    tpu.vector_store %arg11[%swap3A_614], %swap3A_617 {strides = array<i32>} : memref<128xi32, #tpu.memory_space<vmem>>, vector<16xi32>,
    %swap3A_618 = arith.constant 80 : index
    %swap3A_619 = tpu.vector_load %arg12[%swap3A_618] {strides = array<i32>} : memref<128xi32, #tpu.memory_space<vmem>>, vector<16xi32>,
    %swap3A_620 = vector.shape_cast %swap3A_619 : vector<16xi32> to vector<16xi32>
    %swap3A_621 = vector.shape_cast %add3A_581 : vector<16xi32> to vector<16xi32>
    tpu.vector_store %arg12[%swap3A_618], %swap3A_621 {strides = array<i32>} : memref<128xi32, #tpu.memory_space<vmem>>, vector<16xi32>,
    %swap3A_622 = arith.constant 80 : index
    %swap3A_623 = tpu.vector_load %arg13[%swap3A_622] {strides = array<i32>} : memref<128xi32, #tpu.memory_space<vmem>>, vector<16xi32>,
    %swap3A_624 = vector.shape_cast %swap3A_623 : vector<16xi32> to vector<16xi32>
    %swap3A_625 = vector.shape_cast %add3A_581 : vector<16xi32> to vector<16xi32>
    tpu.vector_store %arg13[%swap3A_622], %swap3A_625 {strides = array<i32>} : memref<128xi32, #tpu.memory_space<vmem>>, vector<16xi32>,
    %swap3A_626 = arith.constant 80 : index
    %swap3A_627 = tpu.vector_load %arg14[%swap3A_626] {strides = array<i32>} : memref<128xf32, #tpu.memory_space<vmem>>, vector<16xf32>,
    %swap3A_628 = vector.shape_cast %swap3A_627 : vector<16xf32> to vector<16xf32>
    %swap3A_629 = vector.shape_cast %get3A_566 : vector<16xf32> to vector<16xf32>
    tpu.vector_store %arg14[%swap3A_626], %swap3A_629 {strides = array<i32>} : memref<128xf32, #tpu.memory_space<vmem>>, vector<16xf32>,
    %swap3A_630 = arith.constant 80 : index
    %swap3A_631 = tpu.vector_load %arg15[%swap3A_630] {strides = array<i32>} : memref<128xf32, #tpu.memory_space<vmem>>, vector<16xf32>,
    %swap3A_632 = vector.shape_cast %swap3A_631 : vector<16xf32> to vector<16xf32>
    %swap3A_633 = vector.shape_cast %get3A_569 : vector<16xf32> to vector<16xf32>
    tpu.vector_store %arg15[%swap3A_630], %swap3A_633 {strides = array<i32>} : memref<128xf32, #tpu.memory_space<vmem>>, vector<16xf32>,
    %get3A_634 = arith.constant 96 : index
    %get3A_635 = tpu.vector_load %arg8[%get3A_634] {strides = array<i32>} : memref<768xf32, #tpu.memory_space<vmem>>, vector<16xf32>,
    %get3A_636 = vector.shape_cast %get3A_635 : vector<16xf32> to vector<16xf32>
    %convert_element_type3A_637 = arith.fptosi %get3A_636 : vector<16xf32> to vector<16xi32>
    %get3A_638 = arith.constant 224 : index
    %get3A_639 = tpu.vector_load %arg8[%get3A_638] {strides = array<i32>} : memref<768xf32, #tpu.memory_space<vmem>>, vector<16xf32>,
    %get3A_640 = vector.shape_cast %get3A_639 : vector<16xf32> to vector<16xf32>
    %convert_element_type3A_641 = arith.fptosi %get3A_640 : vector<16xf32> to vector<16xi32>
    %get3A_642 = arith.constant 352 : index
    %get3A_643 = tpu.vector_load %arg8[%get3A_642] {strides = array<i32>} : memref<768xf32, #tpu.memory_space<vmem>>, vector<16xf32>,
    %get3A_644 = vector.shape_cast %get3A_643 : vector<16xf32> to vector<16xf32>
    %convert_element_type3A_645 = arith.fptosi %get3A_644 : vector<16xf32> to vector<16xi32>
    %get3A_646 = arith.constant 480 : index
    %get3A_647 = tpu.vector_load %arg8[%get3A_646] {strides = array<i32>} : memref<768xf32, #tpu.memory_space<vmem>>, vector<16xf32>,
    %get3A_648 = vector.shape_cast %get3A_647 : vector<16xf32> to vector<16xf32>
    %convert_element_type3A_649 = arith.fptosi %get3A_648 : vector<16xf32> to vector<16xi32>
    %get3A_650 = arith.constant 608 : index
    %get3A_651 = tpu.vector_load %arg8[%get3A_650] {strides = array<i32>} : memref<768xf32, #tpu.memory_space<vmem>>, vector<16xf32>,
    %get3A_652 = vector.shape_cast %get3A_651 : vector<16xf32> to vector<16xf32>
    %get3A_653 = arith.constant 736 : index
    %get3A_654 = tpu.vector_load %arg8[%get3A_653] {strides = array<i32>} : memref<768xf32, #tpu.memory_space<vmem>>, vector<16xf32>,
    %get3A_655 = vector.shape_cast %get3A_654 : vector<16xf32> to vector<16xf32>
    %get3A_656 = arith.constant 0 : index
    %get3A_657 = tpu.vector_load %arg9[%get3A_656] {strides = array<i32>} : memref<16xi32, #tpu.memory_space<vmem>>, vector<16xi32>,
    %get3A_658 = vector.shape_cast %get3A_657 : vector<16xi32> to vector<16xi32>
    %broadcast_in_dim3A_659 = vector.shape_cast %convert_element_type3A_641 : vector<16xi32> to vector<16x1xi32>
    %gather3A_660 = vector.shape_cast %broadcast_in_dim3A_659 : vector<16x1xi32> to vector<16xi32>
    %gather3A_661 = tpu.dynamic_gather %get3A_658[%gather3A_660] in [0] : vector<16xi32>, vector<16xi32> -> vector<16xi32>
    %add3A_662 = arith.addi %convert_element_type3A_649, %gather3A_661 : vector<16xi32>
    %add3A_663 = arith.constant 96 : i32
    %add3A_664 = arith.addi %mul3A_2, %add3A_663 : i32
    %iota3A_665 = tpu.iota {dimensions = array<i32: 0>} : vector<16xi32>
    %add3A_666 = vector.broadcast %add3A_664 : i32 to vector<16xi32>
    %add3A_667 = arith.addi %add3A_666, %iota3A_665 : vector<16xi32>
    %lt3A_668 = arith.constant 640 : i32
    %lt3A_669 = vector.broadcast %lt3A_668 : i32 to vector<16xi32>
    %lt3A_670 = arith.cmpi slt, %convert_element_type3A_645, %lt3A_669 : vector<16xi32>
    %lt3A_671 = arith.constant 640 : i32
    %lt3A_672 = vector.broadcast %lt3A_671 : i32 to vector<16xi32>
    %lt3A_673 = arith.cmpi slt, %add3A_662, %lt3A_672 : vector<16xi32>
    %mul3A_674 = arith.constant 256 : i32
    %mul3A_675 = arith.muli %add3A, %mul3A_674 : i32
    %add3A_676 = arith.constant 5120 : i32
    %add3A_677 = arith.addi %add3A_676, %mul3A_675 : i32
    %add3A_678 = arith.constant 96 : i32
    %add3A_679 = arith.addi %add3A_677, %add3A_678 : i32
    %iota3A_680 = tpu.iota {dimensions = array<i32: 0>} : vector<16xi32>
    %add3A_681 = vector.broadcast %add3A_679 : i32 to vector<16xi32>
    %add3A_682 = arith.addi %add3A_681, %iota3A_680 : vector<16xi32>
    %add3A_683 = arith.constant 128 : i32
    %add3A_684 = vector.broadcast %add3A_683 : i32 to vector<16xi32>
    %add3A_685 = arith.addi %add3A_682, %add3A_684 : vector<16xi32>
    %mul3A_686 = arith.constant 640 : i32
    %mul3A_687 = vector.broadcast %mul3A_686 : i32 to vector<16xi32>
    %mul3A_688 = arith.muli %convert_element_type3A_637, %mul3A_687 : vector<16xi32>
    %add3A_689 = arith.addi %mul3A_688, %convert_element_type3A_645 : vector<16xi32>
    %select_n3A_690 = arith.select %lt3A_670, %add3A_689, %add3A_682 : vector<16xi1>, vector<16xi32>
    %mul3A_691 = arith.constant 640 : i32
    %mul3A_692 = vector.broadcast %mul3A_691 : i32 to vector<16xi32>
    %mul3A_693 = arith.muli %convert_element_type3A_641, %mul3A_692 : vector<16xi32>
    %add3A_694 = arith.addi %mul3A_693, %add3A_662 : vector<16xi32>
    %select_n3A_695 = arith.select %lt3A_673, %add3A_694, %add3A_685 : vector<16xi1>, vector<16xi32>
    %swap3A_696 = arith.constant 96 : index
    %swap3A_697 = tpu.vector_load %arg10[%swap3A_696] {strides = array<i32>} : memref<128xi32, #tpu.memory_space<vmem>>, vector<16xi32>,
    %swap3A_698 = vector.shape_cast %swap3A_697 : vector<16xi32> to vector<16xi32>
    %swap3A_699 = vector.shape_cast %select_n3A_690 : vector<16xi32> to vector<16xi32>
    tpu.vector_store %arg10[%swap3A_696], %swap3A_699 {strides = array<i32>} : memref<128xi32, #tpu.memory_space<vmem>>, vector<16xi32>,
    %swap3A_700 = arith.constant 96 : index
    %swap3A_701 = tpu.vector_load %arg11[%swap3A_700] {strides = array<i32>} : memref<128xi32, #tpu.memory_space<vmem>>, vector<16xi32>,
    %swap3A_702 = vector.shape_cast %swap3A_701 : vector<16xi32> to vector<16xi32>
    %swap3A_703 = vector.shape_cast %select_n3A_695 : vector<16xi32> to vector<16xi32>
    tpu.vector_store %arg11[%swap3A_700], %swap3A_703 {strides = array<i32>} : memref<128xi32, #tpu.memory_space<vmem>>, vector<16xi32>,
    %swap3A_704 = arith.constant 96 : index
    %swap3A_705 = tpu.vector_load %arg12[%swap3A_704] {strides = array<i32>} : memref<128xi32, #tpu.memory_space<vmem>>, vector<16xi32>,
    %swap3A_706 = vector.shape_cast %swap3A_705 : vector<16xi32> to vector<16xi32>
    %swap3A_707 = vector.shape_cast %add3A_667 : vector<16xi32> to vector<16xi32>
    tpu.vector_store %arg12[%swap3A_704], %swap3A_707 {strides = array<i32>} : memref<128xi32, #tpu.memory_space<vmem>>, vector<16xi32>,
    %swap3A_708 = arith.constant 96 : index
    %swap3A_709 = tpu.vector_load %arg13[%swap3A_708] {strides = array<i32>} : memref<128xi32, #tpu.memory_space<vmem>>, vector<16xi32>,
    %swap3A_710 = vector.shape_cast %swap3A_709 : vector<16xi32> to vector<16xi32>
    %swap3A_711 = vector.shape_cast %add3A_667 : vector<16xi32> to vector<16xi32>
    tpu.vector_store %arg13[%swap3A_708], %swap3A_711 {strides = array<i32>} : memref<128xi32, #tpu.memory_space<vmem>>, vector<16xi32>,
    %swap3A_712 = arith.constant 96 : index
    %swap3A_713 = tpu.vector_load %arg14[%swap3A_712] {strides = array<i32>} : memref<128xf32, #tpu.memory_space<vmem>>, vector<16xf32>,
    %swap3A_714 = vector.shape_cast %swap3A_713 : vector<16xf32> to vector<16xf32>
    %swap3A_715 = vector.shape_cast %get3A_652 : vector<16xf32> to vector<16xf32>
    tpu.vector_store %arg14[%swap3A_712], %swap3A_715 {strides = array<i32>} : memref<128xf32, #tpu.memory_space<vmem>>, vector<16xf32>,
    %swap3A_716 = arith.constant 96 : index
    %swap3A_717 = tpu.vector_load %arg15[%swap3A_716] {strides = array<i32>} : memref<128xf32, #tpu.memory_space<vmem>>, vector<16xf32>,
    %swap3A_718 = vector.shape_cast %swap3A_717 : vector<16xf32> to vector<16xf32>
    %swap3A_719 = vector.shape_cast %get3A_655 : vector<16xf32> to vector<16xf32>
    tpu.vector_store %arg15[%swap3A_716], %swap3A_719 {strides = array<i32>} : memref<128xf32, #tpu.memory_space<vmem>>, vector<16xf32>,
    %get3A_720 = arith.constant 112 : index
    %get3A_721 = tpu.vector_load %arg8[%get3A_720] {strides = array<i32>} : memref<768xf32, #tpu.memory_space<vmem>>, vector<16xf32>,
    %get3A_722 = vector.shape_cast %get3A_721 : vector<16xf32> to vector<16xf32>
    %convert_element_type3A_723 = arith.fptosi %get3A_722 : vector<16xf32> to vector<16xi32>
    %get3A_724 = arith.constant 240 : index
    %get3A_725 = tpu.vector_load %arg8[%get3A_724] {strides = array<i32>} : memref<768xf32, #tpu.memory_space<vmem>>, vector<16xf32>,
    %get3A_726 = vector.shape_cast %get3A_725 : vector<16xf32> to vector<16xf32>
    %convert_element_type3A_727 = arith.fptosi %get3A_726 : vector<16xf32> to vector<16xi32>
    %get3A_728 = arith.constant 368 : index
    %get3A_729 = tpu.vector_load %arg8[%get3A_728] {strides = array<i32>} : memref<768xf32, #tpu.memory_space<vmem>>, vector<16xf32>,
    %get3A_730 = vector.shape_cast %get3A_729 : vector<16xf32> to vector<16xf32>
    %convert_element_type3A_731 = arith.fptosi %get3A_730 : vector<16xf32> to vector<16xi32>
    %get3A_732 = arith.constant 496 : index
    %get3A_733 = tpu.vector_load %arg8[%get3A_732] {strides = array<i32>} : memref<768xf32, #tpu.memory_space<vmem>>, vector<16xf32>,
    %get3A_734 = vector.shape_cast %get3A_733 : vector<16xf32> to vector<16xf32>
    %convert_element_type3A_735 = arith.fptosi %get3A_734 : vector<16xf32> to vector<16xi32>
    %get3A_736 = arith.constant 624 : index
    %get3A_737 = tpu.vector_load %arg8[%get3A_736] {strides = array<i32>} : memref<768xf32, #tpu.memory_space<vmem>>, vector<16xf32>,
    %get3A_738 = vector.shape_cast %get3A_737 : vector<16xf32> to vector<16xf32>
    %get3A_739 = arith.constant 752 : index
    %get3A_740 = tpu.vector_load %arg8[%get3A_739] {strides = array<i32>} : memref<768xf32, #tpu.memory_space<vmem>>, vector<16xf32>,
    %get3A_741 = vector.shape_cast %get3A_740 : vector<16xf32> to vector<16xf32>
    %get3A_742 = arith.constant 0 : index
    %get3A_743 = tpu.vector_load %arg9[%get3A_742] {strides = array<i32>} : memref<16xi32, #tpu.memory_space<vmem>>, vector<16xi32>,
    %get3A_744 = vector.shape_cast %get3A_743 : vector<16xi32> to vector<16xi32>
    %broadcast_in_dim3A_745 = vector.shape_cast %convert_element_type3A_727 : vector<16xi32> to vector<16x1xi32>
    %gather3A_746 = vector.shape_cast %broadcast_in_dim3A_745 : vector<16x1xi32> to vector<16xi32>
    %gather3A_747 = tpu.dynamic_gather %get3A_744[%gather3A_746] in [0] : vector<16xi32>, vector<16xi32> -> vector<16xi32>
    %add3A_748 = arith.addi %convert_element_type3A_735, %gather3A_747 : vector<16xi32>
    %add3A_749 = arith.constant 112 : i32
    %add3A_750 = arith.addi %mul3A_2, %add3A_749 : i32
    %iota3A_751 = tpu.iota {dimensions = array<i32: 0>} : vector<16xi32>
    %add3A_752 = vector.broadcast %add3A_750 : i32 to vector<16xi32>
    %add3A_753 = arith.addi %add3A_752, %iota3A_751 : vector<16xi32>
    %lt3A_754 = arith.constant 640 : i32
    %lt3A_755 = vector.broadcast %lt3A_754 : i32 to vector<16xi32>
    %lt3A_756 = arith.cmpi slt, %convert_element_type3A_731, %lt3A_755 : vector<16xi32>
    %lt3A_757 = arith.constant 640 : i32
    %lt3A_758 = vector.broadcast %lt3A_757 : i32 to vector<16xi32>
    %lt3A_759 = arith.cmpi slt, %add3A_748, %lt3A_758 : vector<16xi32>
    %mul3A_760 = arith.constant 256 : i32
    %mul3A_761 = arith.muli %add3A, %mul3A_760 : i32
    %add3A_762 = arith.constant 5120 : i32
    %add3A_763 = arith.addi %add3A_762, %mul3A_761 : i32
    %add3A_764 = arith.constant 112 : i32
    %add3A_765 = arith.addi %add3A_763, %add3A_764 : i32
    %iota3A_766 = tpu.iota {dimensions = array<i32: 0>} : vector<16xi32>
    %add3A_767 = vector.broadcast %add3A_765 : i32 to vector<16xi32>
    %add3A_768 = arith.addi %add3A_767, %iota3A_766 : vector<16xi32>
    %add3A_769 = arith.constant 128 : i32
    %add3A_770 = vector.broadcast %add3A_769 : i32 to vector<16xi32>
    %add3A_771 = arith.addi %add3A_768, %add3A_770 : vector<16xi32>
    %mul3A_772 = arith.constant 640 : i32
    %mul3A_773 = vector.broadcast %mul3A_772 : i32 to vector<16xi32>
    %mul3A_774 = arith.muli %convert_element_type3A_723, %mul3A_773 : vector<16xi32>
    %add3A_775 = arith.addi %mul3A_774, %convert_element_type3A_731 : vector<16xi32>
    %select_n3A_776 = arith.select %lt3A_756, %add3A_775, %add3A_768 : vector<16xi1>, vector<16xi32>
    %mul3A_777 = arith.constant 640 : i32
    %mul3A_778 = vector.broadcast %mul3A_777 : i32 to vector<16xi32>
    %mul3A_779 = arith.muli %convert_element_type3A_727, %mul3A_778 : vector<16xi32>
    %add3A_780 = arith.addi %mul3A_779, %add3A_748 : vector<16xi32>
    %select_n3A_781 = arith.select %lt3A_759, %add3A_780, %add3A_771 : vector<16xi1>, vector<16xi32>
    %swap3A_782 = arith.constant 112 : index
    %swap3A_783 = tpu.vector_load %arg10[%swap3A_782] {strides = array<i32>} : memref<128xi32, #tpu.memory_space<vmem>>, vector<16xi32>,
    %swap3A_784 = vector.shape_cast %swap3A_783 : vector<16xi32> to vector<16xi32>
    %swap3A_785 = vector.shape_cast %select_n3A_776 : vector<16xi32> to vector<16xi32>
    tpu.vector_store %arg10[%swap3A_782], %swap3A_785 {strides = array<i32>} : memref<128xi32, #tpu.memory_space<vmem>>, vector<16xi32>,
    %swap3A_786 = arith.constant 112 : index
    %swap3A_787 = tpu.vector_load %arg11[%swap3A_786] {strides = array<i32>} : memref<128xi32, #tpu.memory_space<vmem>>, vector<16xi32>,
    %swap3A_788 = vector.shape_cast %swap3A_787 : vector<16xi32> to vector<16xi32>
    %swap3A_789 = vector.shape_cast %select_n3A_781 : vector<16xi32> to vector<16xi32>
    tpu.vector_store %arg11[%swap3A_786], %swap3A_789 {strides = array<i32>} : memref<128xi32, #tpu.memory_space<vmem>>, vector<16xi32>,
    %swap3A_790 = arith.constant 112 : index
    %swap3A_791 = tpu.vector_load %arg12[%swap3A_790] {strides = array<i32>} : memref<128xi32, #tpu.memory_space<vmem>>, vector<16xi32>,
    %swap3A_792 = vector.shape_cast %swap3A_791 : vector<16xi32> to vector<16xi32>
    %swap3A_793 = vector.shape_cast %add3A_753 : vector<16xi32> to vector<16xi32>
    tpu.vector_store %arg12[%swap3A_790], %swap3A_793 {strides = array<i32>} : memref<128xi32, #tpu.memory_space<vmem>>, vector<16xi32>,
    %swap3A_794 = arith.constant 112 : index
    %swap3A_795 = tpu.vector_load %arg13[%swap3A_794] {strides = array<i32>} : memref<128xi32, #tpu.memory_space<vmem>>, vector<16xi32>,
    %swap3A_796 = vector.shape_cast %swap3A_795 : vector<16xi32> to vector<16xi32>
    %swap3A_797 = vector.shape_cast %add3A_753 : vector<16xi32> to vector<16xi32>
    tpu.vector_store %arg13[%swap3A_794], %swap3A_797 {strides = array<i32>} : memref<128xi32, #tpu.memory_space<vmem>>, vector<16xi32>,
    %swap3A_798 = arith.constant 112 : index
    %swap3A_799 = tpu.vector_load %arg14[%swap3A_798] {strides = array<i32>} : memref<128xf32, #tpu.memory_space<vmem>>, vector<16xf32>,
    %swap3A_800 = vector.shape_cast %swap3A_799 : vector<16xf32> to vector<16xf32>
    %swap3A_801 = vector.shape_cast %get3A_738 : vector<16xf32> to vector<16xf32>
    tpu.vector_store %arg14[%swap3A_798], %swap3A_801 {strides = array<i32>} : memref<128xf32, #tpu.memory_space<vmem>>, vector<16xf32>,
    %swap3A_802 = arith.constant 112 : index
    %swap3A_803 = tpu.vector_load %arg15[%swap3A_802] {strides = array<i32>} : memref<128xf32, #tpu.memory_space<vmem>>, vector<16xf32>,
    %swap3A_804 = vector.shape_cast %swap3A_803 : vector<16xf32> to vector<16xf32>
    %swap3A_805 = vector.shape_cast %get3A_741 : vector<16xf32> to vector<16xf32>
    tpu.vector_store %arg15[%swap3A_802], %swap3A_805 {strides = array<i32>} : memref<128xf32, #tpu.memory_space<vmem>>, vector<16xf32>,
    %barrier3A = arith.constant 0 : index
    tpu.barrier barrier_id(%barrier3A)
    %dma_start3A_806 = arith.constant 0 : i32
    %dma_start3A_807 = tpu.memref_slice %arg16[%dma_start3A_806] : memref<9216xi32, #tpu.memory_space<vmem_shared>> -> memref<9216xi32, #tpu.memory_space<vmem_shared>>
    tpu.enqueue_indirect_dma source(%arg12 : memref<128xi32, #tpu.memory_space<vmem>>) target(%dma_start3A_807 : memref<9216xi32, #tpu.memory_space<vmem_shared>>) offsets(%arg10 : memref<128xi32, #tpu.memory_space<vmem>>) semaphore(%arg18 : memref<!tpu.dma_semaphore, #tpu.memory_space<semaphore_mem>>)
    %dma_start3A_808 = arith.constant 0 : i32
    %dma_start3A_809 = tpu.memref_slice %arg16[%dma_start3A_808] : memref<9216xi32, #tpu.memory_space<vmem_shared>> -> memref<9216xi32, #tpu.memory_space<vmem_shared>>
    tpu.enqueue_indirect_dma source(%arg13 : memref<128xi32, #tpu.memory_space<vmem>>) target(%dma_start3A_809 : memref<9216xi32, #tpu.memory_space<vmem_shared>>) offsets(%arg11 : memref<128xi32, #tpu.memory_space<vmem>>) semaphore(%arg18 : memref<!tpu.dma_semaphore, #tpu.memory_space<semaphore_mem>>)
    %dma_start3A_810 = arith.constant 0 : i32
    %dma_start3A_811 = tpu.memref_slice %arg17[%dma_start3A_810] : memref<9216xf32, #tpu.memory_space<vmem_shared>> -> memref<9216xf32, #tpu.memory_space<vmem_shared>>
    tpu.enqueue_indirect_dma source(%arg14 : memref<128xf32, #tpu.memory_space<vmem>>) target(%dma_start3A_811 : memref<9216xf32, #tpu.memory_space<vmem_shared>>) offsets(%arg10 : memref<128xi32, #tpu.memory_space<vmem>>) semaphore(%arg18 : memref<!tpu.dma_semaphore, #tpu.memory_space<semaphore_mem>>)
    %dma_start3A_812 = arith.constant 0 : i32
    %dma_start3A_813 = tpu.memref_slice %arg17[%dma_start3A_812] : memref<9216xf32, #tpu.memory_space<vmem_shared>> -> memref<9216xf32, #tpu.memory_space<vmem_shared>>
    tpu.enqueue_indirect_dma source(%arg15 : memref<128xf32, #tpu.memory_space<vmem>>) target(%dma_start3A_813 : memref<9216xf32, #tpu.memory_space<vmem_shared>>) offsets(%arg11 : memref<128xi32, #tpu.memory_space<vmem>>) semaphore(%arg18 : memref<!tpu.dma_semaphore, #tpu.memory_space<semaphore_mem>>)
    %dma_wait3A_814 = arith.constant 0 : i32
    %dma_wait3A_815 = tpu.memref_slice %arg16[%dma_wait3A_814] : memref<9216xi32, #tpu.memory_space<vmem_shared>> -> memref<9216xi32, #tpu.memory_space<vmem_shared>>
    tpu.wait_indirect_dma semaphore(%arg18 : memref<!tpu.dma_semaphore, #tpu.memory_space<semaphore_mem>>) src(%arg12 : memref<128xi32, #tpu.memory_space<vmem>>) dst(%dma_wait3A_815 : memref<9216xi32, #tpu.memory_space<vmem_shared>>)
    %dma_wait3A_816 = arith.constant 0 : i32
    %dma_wait3A_817 = tpu.memref_slice %arg16[%dma_wait3A_816] : memref<9216xi32, #tpu.memory_space<vmem_shared>> -> memref<9216xi32, #tpu.memory_space<vmem_shared>>
    tpu.wait_indirect_dma semaphore(%arg18 : memref<!tpu.dma_semaphore, #tpu.memory_space<semaphore_mem>>) src(%arg13 : memref<128xi32, #tpu.memory_space<vmem>>) dst(%dma_wait3A_817 : memref<9216xi32, #tpu.memory_space<vmem_shared>>)
    %dma_wait3A_818 = arith.constant 0 : i32
    %dma_wait3A_819 = tpu.memref_slice %arg17[%dma_wait3A_818] : memref<9216xf32, #tpu.memory_space<vmem_shared>> -> memref<9216xf32, #tpu.memory_space<vmem_shared>>
    tpu.wait_indirect_dma semaphore(%arg18 : memref<!tpu.dma_semaphore, #tpu.memory_space<semaphore_mem>>) src(%arg14 : memref<128xf32, #tpu.memory_space<vmem>>) dst(%dma_wait3A_819 : memref<9216xf32, #tpu.memory_space<vmem_shared>>)
    %dma_wait3A_820 = arith.constant 0 : i32
    %dma_wait3A_821 = tpu.memref_slice %arg17[%dma_wait3A_820] : memref<9216xf32, #tpu.memory_space<vmem_shared>> -> memref<9216xf32, #tpu.memory_space<vmem_shared>>
    tpu.wait_indirect_dma semaphore(%arg18 : memref<!tpu.dma_semaphore, #tpu.memory_space<semaphore_mem>>) src(%arg15 : memref<128xf32, #tpu.memory_space<vmem>>) dst(%dma_wait3A_821 : memref<9216xf32, #tpu.memory_space<vmem_shared>>)
    %barrier3A_822 = arith.constant 0 : index
    tpu.barrier barrier_id(%barrier3A_822)
    %eq3A_823 = arith.constant 0 : i32
    %eq3A_824 = arith.cmpi eq, %add3A, %eq3A_823 : i32
    %convert_element_type3A_825 = arith.extui %eq3A_824 : i1 to i32
    %cond3A_826 = arith.constant 0 : i32
    %cond3A_827 = arith.cmpi ne, %convert_element_type3A_825, %cond3A_826 : i32
    scf.if %cond3A_827 {
      %dma_start3A_828 = arith.constant 0 : i32
      %dma_start3A_829 = tpu.memref_slice %arg16[%dma_start3A_828] : memref<9216xi32, #tpu.memory_space<vmem_shared>> -> memref<5120xi32, #tpu.memory_space<vmem_shared>>
      tpu.enqueue_dma source(%dma_start3A_829 : memref<5120xi32, #tpu.memory_space<vmem_shared>>) target(%arg6 : memref<5120xi32, #tpu.memory_space<hbm>>) target_semaphore(%arg18 : memref<!tpu.dma_semaphore, #tpu.memory_space<semaphore_mem>>)
      %dma_start3A_830 = arith.constant 0 : i32
      %dma_start3A_831 = tpu.memref_slice %arg17[%dma_start3A_830] : memref<9216xf32, #tpu.memory_space<vmem_shared>> -> memref<5120xf32, #tpu.memory_space<vmem_shared>>
      tpu.enqueue_dma source(%dma_start3A_831 : memref<5120xf32, #tpu.memory_space<vmem_shared>>) target(%arg7 : memref<5120xf32, #tpu.memory_space<hbm>>) target_semaphore(%arg18 : memref<!tpu.dma_semaphore, #tpu.memory_space<semaphore_mem>>)
      %dma_wait3A_832 = arith.constant 0 : i32
      %dma_wait3A_833 = tpu.memref_slice %arg16[%dma_wait3A_832] : memref<9216xi32, #tpu.memory_space<vmem_shared>> -> memref<5120xi32, #tpu.memory_space<vmem_shared>>
      tpu.wait_dma2 semaphore(%arg18 : memref<!tpu.dma_semaphore, #tpu.memory_space<semaphore_mem>>) src(%dma_wait3A_833 : memref<5120xi32, #tpu.memory_space<vmem_shared>>) dst(%arg6 : memref<5120xi32, #tpu.memory_space<hbm>>)
      %dma_wait3A_834 = arith.constant 0 : i32
      %dma_wait3A_835 = tpu.memref_slice %arg17[%dma_wait3A_834] : memref<9216xf32, #tpu.memory_space<vmem_shared>> -> memref<5120xf32, #tpu.memory_space<vmem_shared>>
      tpu.wait_dma2 semaphore(%arg18 : memref<!tpu.dma_semaphore, #tpu.memory_space<semaphore_mem>>) src(%dma_wait3A_835 : memref<5120xf32, #tpu.memory_space<vmem_shared>>) dst(%arg7 : memref<5120xf32, #tpu.memory_space<hbm>>)
    } else {
    }
    return
  }
}

module attributes {stable_mosaic.version = 14 : i64} {
  func.func @_pass_a_kernel(%arg0: i32, %arg1: memref<512x1x2048xf32, #tpu.memory_space<vmem>>, %arg2: memref<8x2048xf32, #tpu.memory_space<vmem>>, %arg3: memref<8x512xf32, #tpu.memory_space<vmem>>, %arg4: memref<2x16xi32, #tpu.memory_space<vmem>>, %arg5: memref<1x8xi32, #tpu.memory_space<vmem>>, %arg6: memref<1x8xi32, #tpu.memory_space<vmem>>, %arg7: memref<512x512xf32, #tpu.memory_space<vmem>>, %arg8: memref<512x512xf32, #tpu.memory_space<vmem>>) attributes {dimension_semantics = [#tpu.dimension_semantics<arbitrary>], iteration_bounds = array<i64: 4>, scalar_prefetch = 0 : i64, scratch_operands = 4 : i64, tpu.core_type = #tpu.core_type<tc>, window_params = [{transform_indices = @transform_0, window_bounds = array<i64: 512, 1, 2048>}, {pipeline_mode = #tpu.pipeline_mode<synchronous>, transform_indices = @transform_1, window_bounds = array<i64: 8, 2048>}, {transform_indices = @transform_2, window_bounds = array<i64: 8, 512>}, {pipeline_mode = #tpu.pipeline_mode<synchronous>, transform_indices = @transform_3, window_bounds = array<i64: 2, 16>}]} {
    %eq3A = arith.constant 0 : i32
    %eq3A_0 = arith.cmpi eq, %arg0, %eq3A : i32
    %convert_element_type3A = arith.extui %eq3A_0 : i1 to i32
    %cond3A = arith.constant 0 : i32
    %cond3A_1 = arith.cmpi ne, %convert_element_type3A, %cond3A : i32
    scf.if %cond3A_1 {
      %broadcast_in_dim3A_126 = arith.constant 0 : i32
      %broadcast_in_dim3A_127 = vector.broadcast %broadcast_in_dim3A_126 : i32 to vector<1x8xi32>
      %swap3A_128 = arith.constant 0 : index
      %swap3A_129 = arith.constant 0 : index
      %swap3A_130 = vector.load %arg5[%swap3A_128, %swap3A_129] : memref<1x8xi32, #tpu.memory_space<vmem>>, vector<1x8xi32>
      tpu.vector_store %arg5[%swap3A_128, %swap3A_129], %broadcast_in_dim3A_127 {strides = array<i32>} : memref<1x8xi32, #tpu.memory_space<vmem>>, vector<1x8xi32>,
      %broadcast_in_dim3A_131 = arith.constant 0 : i32
      %broadcast_in_dim3A_132 = vector.broadcast %broadcast_in_dim3A_131 : i32 to vector<1x8xi32>
      %swap3A_133 = arith.constant 0 : index
      %swap3A_134 = arith.constant 0 : index
      %swap3A_135 = vector.load %arg6[%swap3A_133, %swap3A_134] : memref<1x8xi32, #tpu.memory_space<vmem>>, vector<1x8xi32>
      tpu.vector_store %arg6[%swap3A_133, %swap3A_134], %broadcast_in_dim3A_132 {strides = array<i32>} : memref<1x8xi32, #tpu.memory_space<vmem>>, vector<1x8xi32>,
      %iota3A_136 = tpu.iota {dimensions = array<i32: 0>} : vector<512x512xi32>
      %iota3A_137 = tpu.iota {dimensions = array<i32: 1>} : vector<512x512xi32>
      %ge3A = arith.cmpi sge, %iota3A_136, %iota3A_137 : vector<512x512xi32>
      %convert_element_type3A_138 = arith.extui %ge3A : vector<512x512xi1> to vector<512x512xi32>
      %convert_element_type3A_139 = arith.sitofp %convert_element_type3A_138 : vector<512x512xi32> to vector<512x512xf32>
      %swap3A_140 = arith.constant 0 : index
      %swap3A_141 = arith.constant 0 : index
      %swap3A_142 = vector.load %arg7[%swap3A_140, %swap3A_141] : memref<512x512xf32, #tpu.memory_space<vmem>>, vector<512x512xf32>
      tpu.vector_store %arg7[%swap3A_140, %swap3A_141], %convert_element_type3A_139 {strides = array<i32>} : memref<512x512xf32, #tpu.memory_space<vmem>>, vector<512x512xf32>,
      %eq3A_143 = arith.cmpi eq, %iota3A_136, %iota3A_137 : vector<512x512xi32>
      %convert_element_type3A_144 = arith.extui %eq3A_143 : vector<512x512xi1> to vector<512x512xi32>
      %convert_element_type3A_145 = arith.sitofp %convert_element_type3A_144 : vector<512x512xi32> to vector<512x512xf32>
      %swap3A_146 = arith.constant 0 : index
      %swap3A_147 = arith.constant 0 : index
      %swap3A_148 = vector.load %arg8[%swap3A_146, %swap3A_147] : memref<512x512xf32, #tpu.memory_space<vmem>>, vector<512x512xf32>
      tpu.vector_store %arg8[%swap3A_146, %swap3A_147], %convert_element_type3A_145 {strides = array<i32>} : memref<512x512xf32, #tpu.memory_space<vmem>>, vector<512x512xf32>,
    } else {
    }
    %get3A = arith.constant 0 : index
    %get3A_2 = arith.constant 0 : index
    %get3A_3 = arith.constant 0 : index
    %get3A_4 = vector.load %arg1[%get3A, %get3A_2, %get3A_3] : memref<512x1x2048xf32, #tpu.memory_space<vmem>>, vector<512x1x2048xf32>
    %get3A_5 = vector.shape_cast %get3A_4 : vector<512x1x2048xf32> to vector<512x2048xf32>
    %get3A_6 = arith.constant 0 : index
    %get3A_7 = arith.constant 0 : index
    %get3A_8 = vector.load %arg2[%get3A_6, %get3A_7] : memref<8x2048xf32, #tpu.memory_space<vmem>>, vector<8x2048xf32>
    %dot_general3A = arith.constant dense<0.000000e+00> : vector<512x8xf32>
    %dot_general3A_9 = tpu.matmul %get3A_5, %get3A_8, %dot_general3A {dimension_numbers = #tpu.dot_dimension_numbers<[1], [1], [0], [0], [0, 0, 1, 0], [], []>, transpose_lhs_hint = false} : vector<512x2048xf32>, vector<8x2048xf32>, vector<512x8xf32> -> vector<512x8xf32>
    %iota3A = tpu.iota {dimensions = array<i32: 1>} : vector<512x8xi32>
    %reduce_max3A = arith.constant dense<0xFF800000> : vector<512xf32>
    %reduce_max3A_10 = vector.multi_reduction <maximumf>, %dot_general3A_9, %reduce_max3A [1] : vector<512x8xf32> to vector<512xf32>
    %broadcast_in_dim3A = vector.shape_cast %reduce_max3A_10 : vector<512xf32> to vector<512x1xf32>
    %eq3A_11 = vector.broadcast %broadcast_in_dim3A : vector<512x1xf32> to vector<512x8xf32>
    %eq3A_12 = arith.cmpf oeq, %dot_general3A_9, %eq3A_11 : vector<512x8xf32>
    %jit3A = arith.constant 8 : i32
    %broadcast_in_dim3A_13 = vector.broadcast %jit3A : i32 to vector<512x8xi32>
    %select_n3A = arith.select %eq3A_12, %iota3A, %broadcast_in_dim3A_13 : vector<512x8xi1>, vector<512x8xi32>
    %reduce_min3A = arith.constant dense<2147483647> : vector<512xi32>
    %reduce_min3A_14 = vector.multi_reduction <minsi>, %select_n3A, %reduce_min3A [1] : vector<512x8xi32> to vector<512xi32>
    %broadcast_in_dim3A_15 = vector.shape_cast %reduce_min3A_14 : vector<512xi32> to vector<512x1xi32>
    %eq3A_16 = vector.broadcast %broadcast_in_dim3A_15 : vector<512x1xi32> to vector<512x8xi32>
    %eq3A_17 = arith.cmpi eq, %iota3A, %eq3A_16 : vector<512x8xi32>
    %jit3A_18 = arith.constant 0xFF800000 : f32
    %broadcast_in_dim3A_19 = vector.broadcast %jit3A_18 : f32 to vector<512x8xf32>
    %select_n3A_20 = arith.select %eq3A_17, %broadcast_in_dim3A_19, %dot_general3A_9 : vector<512x8xi1>, vector<512x8xf32>
    %reduce_max3A_21 = arith.constant dense<0xFF800000> : vector<512xf32>
    %reduce_max3A_22 = vector.multi_reduction <maximumf>, %select_n3A_20, %reduce_max3A_21 [1] : vector<512x8xf32> to vector<512xf32>
    %broadcast_in_dim3A_23 = vector.shape_cast %reduce_max3A_22 : vector<512xf32> to vector<512x1xf32>
    %eq3A_24 = vector.broadcast %broadcast_in_dim3A_23 : vector<512x1xf32> to vector<512x8xf32>
    %eq3A_25 = arith.cmpf oeq, %select_n3A_20, %eq3A_24 : vector<512x8xf32>
    %jit3A_26 = arith.constant 8 : i32
    %broadcast_in_dim3A_27 = vector.broadcast %jit3A_26 : i32 to vector<512x8xi32>
    %select_n3A_28 = arith.select %eq3A_25, %iota3A, %broadcast_in_dim3A_27 : vector<512x8xi1>, vector<512x8xi32>
    %reduce_min3A_29 = arith.constant dense<2147483647> : vector<512xi32>
    %reduce_min3A_30 = vector.multi_reduction <minsi>, %select_n3A_28, %reduce_min3A_29 [1] : vector<512x8xi32> to vector<512xi32>
    %broadcast_in_dim3A_31 = vector.shape_cast %reduce_min3A_30 : vector<512xi32> to vector<512x1xi32>
    %sub3A = arith.subf %broadcast_in_dim3A_23, %broadcast_in_dim3A : vector<512x1xf32>
    %exp3A = math.exp %sub3A : vector<512x1xf32>
    %add3A = arith.constant 1.000000e+00 : f32
    %add3A_32 = vector.broadcast %add3A : f32 to vector<512x1xf32>
    %add3A_33 = arith.addf %add3A_32, %exp3A : vector<512x1xf32>
    %div3A = arith.constant 1.000000e+00 : f32
    %div3A_34 = vector.broadcast %div3A : f32 to vector<512x1xf32>
    %div3A_35 = arith.divf %div3A_34, %add3A_33 : vector<512x1xf32>
    %add3A_36 = arith.constant 1.000000e+00 : f32
    %add3A_37 = vector.broadcast %add3A_36 : f32 to vector<512x1xf32>
    %add3A_38 = arith.addf %add3A_37, %exp3A : vector<512x1xf32>
    %div3A_39 = arith.divf %exp3A, %add3A_38 : vector<512x1xf32>
    %eq3A_40 = vector.broadcast %broadcast_in_dim3A_15 : vector<512x1xi32> to vector<512x8xi32>
    %eq3A_41 = arith.cmpi eq, %iota3A, %eq3A_40 : vector<512x8xi32>
    %convert_element_type3A_42 = arith.extui %eq3A_41 : vector<512x8xi1> to vector<512x8xi32>
    %eq3A_43 = vector.broadcast %broadcast_in_dim3A_31 : vector<512x1xi32> to vector<512x8xi32>
    %eq3A_44 = arith.cmpi eq, %iota3A, %eq3A_43 : vector<512x8xi32>
    %convert_element_type3A_45 = arith.extui %eq3A_44 : vector<512x8xi1> to vector<512x8xi32>
    %concatenate3A = tpu.concatenate %convert_element_type3A_42, %convert_element_type3A_45 in 1 : vector<512x8xi32>, vector<512x8xi32> -> vector<512x16xi32>
    %convert_element_type3A_46 = arith.sitofp %concatenate3A : vector<512x16xi32> to vector<512x16xf32>
    %get3A_47 = arith.constant 0 : index
    %get3A_48 = arith.constant 0 : index
    %get3A_49 = vector.load %arg7[%get3A_47, %get3A_48] : memref<512x512xf32, #tpu.memory_space<vmem>>, vector<512x512xf32>
    %dot_general3A_50 = arith.constant dense<0.000000e+00> : vector<512x16xf32>
    %dot_general3A_51 = tpu.matmul %get3A_49, %convert_element_type3A_46, %dot_general3A_50 {dimension_numbers = #tpu.dot_dimension_numbers<[1], [0], [0], [1], [0, 0, 1, 1], [], []>, transpose_lhs_hint = false} : vector<512x512xf32>, vector<512x16xf32>, vector<512x16xf32> -> vector<512x16xf32>
    %convert_element_type3A_52 = arith.fptosi %dot_general3A_51 : vector<512x16xf32> to vector<512x16xi32>
    %slice3A = vector.extract_strided_slice %convert_element_type3A_52 {offsets = [0, 0], sizes = [512, 8], strides = [1, 1]} : vector<512x16xi32> to vector<512x8xi32>
    %slice3A_53 = vector.extract_strided_slice %convert_element_type3A_52 {offsets = [0, 8], sizes = [512, 8], strides = [1, 1]} : vector<512x16xi32> to vector<512x8xi32>
    %get3A_54 = arith.constant 0 : index
    %get3A_55 = arith.constant 0 : index
    %get3A_56 = vector.load %arg5[%get3A_54, %get3A_55] : memref<1x8xi32, #tpu.memory_space<vmem>>, vector<1x8xi32>
    %get3A_57 = arith.constant 0 : index
    %get3A_58 = arith.constant 0 : index
    %get3A_59 = vector.load %arg6[%get3A_57, %get3A_58] : memref<1x8xi32, #tpu.memory_space<vmem>>, vector<1x8xi32>
    %add3A_60 = vector.broadcast %get3A_56 : vector<1x8xi32> to vector<512x8xi32>
    %add3A_61 = arith.addi %add3A_60, %slice3A : vector<512x8xi32>
    %mul3A = arith.muli %convert_element_type3A_42, %add3A_61 : vector<512x8xi32>
    %add3A_62 = vector.broadcast %get3A_59 : vector<1x8xi32> to vector<512x8xi32>
    %add3A_63 = arith.addi %add3A_62, %slice3A_53 : vector<512x8xi32>
    %mul3A_64 = arith.muli %convert_element_type3A_45, %add3A_63 : vector<512x8xi32>
    %concatenate3A_65 = tpu.concatenate %mul3A, %mul3A_64 in 1 : vector<512x8xi32>, vector<512x8xi32> -> vector<512x16xi32>
    %convert_element_type3A_66 = arith.sitofp %concatenate3A_65 : vector<512x16xi32> to vector<512x16xf32>
    %iota3A_67 = tpu.iota {dimensions = array<i32: 0>} : vector<16x2xi32>
    %iota3A_68 = tpu.iota {dimensions = array<i32: 1>} : vector<16x2xi32>
    %lt3A = arith.constant 8 : i32
    %lt3A_69 = vector.broadcast %lt3A : i32 to vector<16x2xi32>
    %lt3A_70 = arith.cmpi slt, %iota3A_67, %lt3A_69 : vector<16x2xi32>
    %eq3A_71 = arith.constant 0 : i32
    %eq3A_72 = vector.broadcast %eq3A_71 : i32 to vector<16x2xi32>
    %eq3A_73 = arith.cmpi eq, %iota3A_68, %eq3A_72 : vector<16x2xi32>
    %eq3A_74 = arith.xori %lt3A_70, %eq3A_73 : vector<16x2xi1>
    %eq3A_75 = arith.constant dense<true> : vector<16x2xi1>
    %eq3A_76 = arith.xori %eq3A_74, %eq3A_75 : vector<16x2xi1>
    %convert_element_type3A_77 = arith.extui %eq3A_76 : vector<16x2xi1> to vector<16x2xi32>
    %convert_element_type3A_78 = arith.sitofp %convert_element_type3A_77 : vector<16x2xi32> to vector<16x2xf32>
    %dot_general3A_79 = arith.constant dense<0.000000e+00> : vector<512x2xf32>
    %dot_general3A_80 = tpu.matmul %convert_element_type3A_66, %convert_element_type3A_78, %dot_general3A_79 {dimension_numbers = #tpu.dot_dimension_numbers<[1], [0], [0], [1], [0, 0, 1, 1], [], []>, precision = #tpu.contract_precision<fp32>, transpose_lhs_hint = false} : vector<512x16xf32>, vector<16x2xf32>, vector<512x2xf32> -> vector<512x2xf32>
    %slice3A_81 = vector.extract_strided_slice %dot_general3A_80 {offsets = [0, 0], sizes = [512, 1], strides = [1, 1]} : vector<512x2xf32> to vector<512x1xf32>
    %convert_element_type3A_82 = arith.fptosi %slice3A_81 : vector<512x1xf32> to vector<512x1xi32>
    %sub3A_83 = arith.constant 1 : i32
    %sub3A_84 = vector.broadcast %sub3A_83 : i32 to vector<512x1xi32>
    %sub3A_85 = arith.subi %convert_element_type3A_82, %sub3A_84 : vector<512x1xi32>
    %slice3A_86 = vector.extract_strided_slice %dot_general3A_80 {offsets = [0, 1], sizes = [512, 1], strides = [1, 1]} : vector<512x2xf32> to vector<512x1xf32>
    %convert_element_type3A_87 = arith.fptosi %slice3A_86 : vector<512x1xf32> to vector<512x1xi32>
    %sub3A_88 = arith.constant 1 : i32
    %sub3A_89 = vector.broadcast %sub3A_88 : i32 to vector<512x1xi32>
    %sub3A_90 = arith.subi %convert_element_type3A_87, %sub3A_89 : vector<512x1xi32>
    %slice3A_91 = vector.extract_strided_slice %slice3A {offsets = [511, 0], sizes = [1, 8], strides = [1, 1]} : vector<512x8xi32> to vector<1x8xi32>
    %add3A_92 = arith.addi %get3A_56, %slice3A_91 : vector<1x8xi32>
    %slice3A_93 = vector.extract_strided_slice %slice3A_53 {offsets = [511, 0], sizes = [1, 8], strides = [1, 1]} : vector<512x8xi32> to vector<1x8xi32>
    %add3A_94 = arith.addi %get3A_59, %slice3A_93 : vector<1x8xi32>
    %swap3A = arith.constant 0 : index
    %swap3A_95 = arith.constant 0 : index
    %swap3A_96 = vector.load %arg5[%swap3A, %swap3A_95] : memref<1x8xi32, #tpu.memory_space<vmem>>, vector<1x8xi32>
    tpu.vector_store %arg5[%swap3A, %swap3A_95], %add3A_92 {strides = array<i32>} : memref<1x8xi32, #tpu.memory_space<vmem>>, vector<1x8xi32>,
    %swap3A_97 = arith.constant 0 : index
    %swap3A_98 = arith.constant 0 : index
    %swap3A_99 = vector.load %arg6[%swap3A_97, %swap3A_98] : memref<1x8xi32, #tpu.memory_space<vmem>>, vector<1x8xi32>
    tpu.vector_store %arg6[%swap3A_97, %swap3A_98], %add3A_94 {strides = array<i32>} : memref<1x8xi32, #tpu.memory_space<vmem>>, vector<1x8xi32>,
    %broadcast_in_dim3A_100 = arith.constant 0.000000e+00 : f32
    %broadcast_in_dim3A_101 = vector.broadcast %broadcast_in_dim3A_100 : f32 to vector<512x1xf32>
    %convert_element_type3A_102 = arith.sitofp %broadcast_in_dim3A_15 : vector<512x1xi32> to vector<512x1xf32>
    %convert_element_type3A_103 = arith.sitofp %broadcast_in_dim3A_31 : vector<512x1xi32> to vector<512x1xf32>
    %convert_element_type3A_104 = arith.sitofp %sub3A_85 : vector<512x1xi32> to vector<512x1xf32>
    %convert_element_type3A_105 = arith.sitofp %sub3A_90 : vector<512x1xi32> to vector<512x1xf32>
    %concatenate3A_106 = tpu.concatenate %convert_element_type3A_102, %convert_element_type3A_103, %convert_element_type3A_104, %convert_element_type3A_105, %div3A_35, %div3A_39, %broadcast_in_dim3A_101, %broadcast_in_dim3A_101 in 1 : vector<512x1xf32>, vector<512x1xf32>, vector<512x1xf32>, vector<512x1xf32>, vector<512x1xf32>, vector<512x1xf32>, vector<512x1xf32>, vector<512x1xf32> -> vector<512x8xf32>
    %get3A_107 = arith.constant 0 : index
    %get3A_108 = arith.constant 0 : index
    %get3A_109 = vector.load %arg8[%get3A_107, %get3A_108] : memref<512x512xf32, #tpu.memory_space<vmem>>, vector<512x512xf32>
    %dot_general3A_110 = arith.constant dense<0.000000e+00> : vector<8x512xf32>
    %dot_general3A_111 = tpu.matmul %concatenate3A_106, %get3A_109, %dot_general3A_110 {dimension_numbers = #tpu.dot_dimension_numbers<[0], [0], [1], [1], [0, 1, 1, 1], [], []>, precision = #tpu.contract_precision<fp32>, transpose_lhs_hint = false} : vector<512x8xf32>, vector<512x512xf32>, vector<8x512xf32> -> vector<8x512xf32>
    %swap3A_112 = arith.constant 0 : index
    %swap3A_113 = arith.constant 0 : index
    %swap3A_114 = vector.load %arg3[%swap3A_112, %swap3A_113] : memref<8x512xf32, #tpu.memory_space<vmem>>, vector<8x512xf32>
    tpu.vector_store %arg3[%swap3A_112, %swap3A_113], %dot_general3A_111 {strides = array<i32>} : memref<8x512xf32, #tpu.memory_space<vmem>>, vector<8x512xf32>,
    %broadcast_in_dim3A_115 = arith.constant 0 : i32
    %broadcast_in_dim3A_116 = vector.broadcast %broadcast_in_dim3A_115 : i32 to vector<1x8xi32>
    %concatenate3A_117 = tpu.concatenate %add3A_92, %broadcast_in_dim3A_116 in 1 : vector<1x8xi32>, vector<1x8xi32> -> vector<1x16xi32>
    %add3A_118 = arith.addi %add3A_92, %add3A_94 : vector<1x8xi32>
    %min3A = arith.constant 640 : i32
    %min3A_119 = vector.broadcast %min3A : i32 to vector<1x8xi32>
    %min3A_120 = arith.minsi %add3A_118, %min3A_119 : vector<1x8xi32>
    %concatenate3A_121 = tpu.concatenate %min3A_120, %broadcast_in_dim3A_116 in 1 : vector<1x8xi32>, vector<1x8xi32> -> vector<1x16xi32>
    %concatenate3A_122 = tpu.concatenate %concatenate3A_117, %concatenate3A_121 in 0 : vector<1x16xi32>, vector<1x16xi32> -> vector<2x16xi32>
    %swap3A_123 = arith.constant 0 : index
    %swap3A_124 = arith.constant 0 : index
    %swap3A_125 = vector.load %arg4[%swap3A_123, %swap3A_124] : memref<2x16xi32, #tpu.memory_space<vmem>>, vector<2x16xi32>
    tpu.vector_store %arg4[%swap3A_123, %swap3A_124], %concatenate3A_122 {strides = array<i32>} : memref<2x16xi32, #tpu.memory_space<vmem>>, vector<2x16xi32>,
    return
  }
  func.func @transform_0(%arg0: i32) -> (i32, i32, i32) {
    %c0_i32 = arith.constant 0 : i32
    %c0_i32_0 = arith.constant 0 : i32
    %c0_i32_1 = arith.constant 0 : i32
    return %arg0, %c0_i32, %c0_i32_0 : i32, i32, i32
  }
  func.func @transform_1(%arg0: i32) -> (i32, i32) {
    %c0_i32 = arith.constant 0 : i32
    %c0_i32_0 = arith.constant 0 : i32
    %c0_i32_1 = arith.constant 0 : i32
    return %c0_i32, %c0_i32_0 : i32, i32
  }
  func.func @transform_2(%arg0: i32) -> (i32, i32) {
    %c0_i32 = arith.constant 0 : i32
    %c0_i32_0 = arith.constant 0 : i32
    return %c0_i32, %arg0 : i32, i32
  }
  func.func @transform_3(%arg0: i32) -> (i32, i32) {
    %c0_i32 = arith.constant 0 : i32
    %c0_i32_0 = arith.constant 0 : i32
    %c0_i32_1 = arith.constant 0 : i32
    return %c0_i32, %c0_i32_0 : i32, i32
  }
}

module attributes {stable_mosaic.version = 14 : i64} {
  func.func @_pass_c_kernel(%arg0: i32, %arg1: memref<8x640xi32, #tpu.memory_space<vmem>>, %arg2: memref<8x640xf32, #tpu.memory_space<vmem>>, %arg3: memref<128x8x640xf32, #tpu.memory_space<vmem>>, %arg4: memref<128x8x640xi8, #tpu.memory_space<vmem>>) attributes {dimension_semantics = [#tpu.dimension_semantics<arbitrary>], iteration_bounds = array<i64: 16>, scalar_prefetch = 0 : i64, scratch_operands = 0 : i64, tpu.core_type = #tpu.core_type<tc>, window_params = [{pipeline_mode = #tpu.pipeline_mode<synchronous>, transform_indices = @transform_0, window_bounds = array<i64: 8, 640>}, {pipeline_mode = #tpu.pipeline_mode<synchronous>, transform_indices = @transform_1, window_bounds = array<i64: 8, 640>}, {transform_indices = @transform_2, window_bounds = array<i64: 128, 8, 640>}, {transform_indices = @transform_3, window_bounds = array<i64: 128, 8, 640>}]} {
    %get3A = arith.constant 0 : index
    %get3A_0 = arith.constant 0 : index
    %get3A_1 = vector.load %arg1[%get3A, %get3A_0] : memref<8x640xi32, #tpu.memory_space<vmem>>, vector<8x640xi32>
    %get3A_2 = arith.constant 0 : index
    %get3A_3 = arith.constant 0 : index
    %get3A_4 = vector.load %arg2[%get3A_2, %get3A_3] : memref<8x640xf32, #tpu.memory_space<vmem>>, vector<8x640xf32>
    %ne3A = arith.constant 0.000000e+00 : f32
    %ne3A_5 = vector.broadcast %ne3A : f32 to vector<8x640xf32>
    %ne3A_6 = arith.cmpf one, %get3A_4, %ne3A_5 : vector<8x640xf32>
    %mul3A = arith.constant 128 : i32
    %mul3A_7 = arith.muli %arg0, %mul3A : i32
    %iota3A = tpu.iota {dimensions = array<i32: 0>} : vector<128x8x640xi32>
    %add3A = vector.broadcast %mul3A_7 : i32 to vector<128x8x640xi32>
    %add3A_8 = arith.addi %add3A, %iota3A : vector<128x8x640xi32>
    %broadcast_in_dim3A = vector.shape_cast %get3A_1 : vector<8x640xi32> to vector<1x8x640xi32>
    %eq3A = vector.broadcast %broadcast_in_dim3A : vector<1x8x640xi32> to vector<128x8x640xi32>
    %eq3A_9 = arith.cmpi eq, %eq3A, %add3A_8 : vector<128x8x640xi32>
    %broadcast_in_dim3A_10 = vector.shape_cast %get3A_4 : vector<8x640xf32> to vector<1x8x640xf32>
    %jit3A = arith.constant 0.000000e+00 : f32
    %broadcast_in_dim3A_11 = vector.shape_cast %broadcast_in_dim3A_10 : vector<1x8x640xf32> to vector<1x8x640xf32>
    %broadcast_in_dim3A_12 = vector.broadcast %broadcast_in_dim3A_11 : vector<1x8x640xf32> to vector<128x8x640xf32>
    %broadcast_in_dim3A_13 = vector.broadcast %jit3A : f32 to vector<128x8x640xf32>
    %select_n3A = arith.select %eq3A_9, %broadcast_in_dim3A_12, %broadcast_in_dim3A_13 : vector<128x8x640xi1>, vector<128x8x640xf32>
    %swap3A = arith.constant 0 : index
    %swap3A_14 = arith.constant 0 : index
    %swap3A_15 = arith.constant 0 : index
    %swap3A_16 = vector.load %arg3[%swap3A, %swap3A_14, %swap3A_15] : memref<128x8x640xf32, #tpu.memory_space<vmem>>, vector<128x8x640xf32>
    tpu.vector_store %arg3[%swap3A, %swap3A_14, %swap3A_15], %select_n3A {strides = array<i32>} : memref<128x8x640xf32, #tpu.memory_space<vmem>>, vector<128x8x640xf32>,
    %broadcast_in_dim3A_17 = vector.shape_cast %ne3A_6 : vector<8x640xi1> to vector<1x8x640xi1>
    %and3A = vector.broadcast %broadcast_in_dim3A_17 : vector<1x8x640xi1> to vector<128x8x640xi1>
    %and3A_18 = arith.andi %eq3A_9, %and3A : vector<128x8x640xi1>
    %convert_element_type3A = arith.extui %and3A_18 : vector<128x8x640xi1> to vector<128x8x640xi8>
    %swap3A_19 = arith.constant 0 : index
    %swap3A_20 = arith.constant 0 : index
    %swap3A_21 = arith.constant 0 : index
    %swap3A_22 = vector.load %arg4[%swap3A_19, %swap3A_20, %swap3A_21] : memref<128x8x640xi8, #tpu.memory_space<vmem>>, vector<128x8x640xi8>
    tpu.vector_store %arg4[%swap3A_19, %swap3A_20, %swap3A_21], %convert_element_type3A {strides = array<i32>} : memref<128x8x640xi8, #tpu.memory_space<vmem>>, vector<128x8x640xi8>,
    return
  }
  func.func @transform_0(%arg0: i32) -> (i32, i32) {
    %c0_i32 = arith.constant 0 : i32
    %c0_i32_0 = arith.constant 0 : i32
    %c0_i32_1 = arith.constant 0 : i32
    return %c0_i32, %c0_i32_0 : i32, i32
  }
  func.func @transform_1(%arg0: i32) -> (i32, i32) {
    %c0_i32 = arith.constant 0 : i32
    %c0_i32_0 = arith.constant 0 : i32
    %c0_i32_1 = arith.constant 0 : i32
    return %c0_i32, %c0_i32_0 : i32, i32
  }
  func.func @transform_2(%arg0: i32) -> (i32, i32, i32) {
    %c0_i32 = arith.constant 0 : i32
    %c0_i32_0 = arith.constant 0 : i32
    %c0_i32_1 = arith.constant 0 : i32
    return %arg0, %c0_i32, %c0_i32_0 : i32, i32, i32
  }
  func.func @transform_3(%arg0: i32) -> (i32, i32, i32) {
    %c0_i32 = arith.constant 0 : i32
    %c0_i32_0 = arith.constant 0 : i32
    %c0_i32_1 = arith.constant 0 : i32
    return %arg0, %c0_i32, %c0_i32_0 : i32, i32, i32
  }
}

</mosaic_0001>

<sc_bundles>
// kernel: kernel.5.cloned.1.call-start
scs
__scs_entry_jumppad:
0x0: {  	(pc) =	sbr.rel $0x88, $3  }
0x1: {  	(tag) =	ssettag $0x0;
	lr =	simm.s32 $0x1  }
0x2: {  	[smem:$0x3F9F] =	sst lr;
	_ =	strace $0xD0000000  }
0x3: {  	_ = 	snop  }
0x4: {  	_ = 	snop  }
0x5: {  	_ = 	snop  }
0x6: {  	_ = 	snop  }
0x7: {  	_ = 	snop  }
__scs_overlays_trampoline_lowered:
0x8: {  	[smem:$0x3FAE] =	sst s0  }
0x9: {  	[smem:$0x3FAF] =	sst s1  }
0xa: {  	[smem:$0x3FB0] =	sst s2  }
0xb: {  	[smem:$0x3FB1] =	sst s3  }
0xc: {  	[smem:$0x3FB2] =	sst s4  }
0xd: {  	[smem:$0x3FB3] =	sst s5  }
0xe: {  	[smem:$0x3FB4] =	sst s6  }
0xf: {  	[smem:$0x3FB5] =	sst s7  }
0x10: {  	[smem:$0x3FB6] =	sst s8  }
0x11: {  	[smem:$0x3FB7] =	sst s9;
	s0 =	simm.s32 @!p0 $0x0  }
0x12: {  	s1 =	sld [smem:$0x3F9D];
	s0 =	simm.s32 @p0 $0x1  }
0x13: {  	[smem:$0x3FB8] =	sst s0;
	s0 =	simm.s32 @!p1 $0x0  }
0x14: {  	s2 =	sld [smem:$0x3F9C];
	s0 =	simm.s32 @p1 $0x1  }
0x15: {  	[smem:$0x3FB9] =	sst s0;
	s0 =	simm.s32 @!p2 $0x0  }
0x16: {  	s3 =	sld [smem:$0x3FDB];
	s0 =	simm.s32 @p2 $0x1  }
0x17: {  	s4 =	simm.s32 $0x1BF5;
	[smem:$0x3FBB] =	sst s0  }
0x18: {  	s0 =	sld [smem:$0x3F9E];
	_ =	swait.ge [sflag:s4], $0x0  }
0x19: {  	s7 =	sld [smem:$0x3F9F]  }
0x1a: {  	s8 =	sadd.s32 $0xFFFFE003, lr  }
0x1b: {  	s9 =	sadd.s32 $0xFFFFFEF7, lr;
	s5 =	simm.s32 $0xFFFFFFFF;
	p2 =	slt.u32 s8, $0xFFFFF086  }
0x1c: {  	p1 =	slt.u32 s9, $0xF7A;
	s5 =	simm.s32 @!p2 $0x0  }
0x1d: {  	s5 =	simm.s32 @p1 $0x1;
	p0 =	seq.s32 s7, s2  }
0x1e: {  	s7 =	smul.u32 @!p0 $0xF7A, s2;
	p2 =	seq.s32 @!p0 s5, $0x0  }
0x1f: {  	s9 =	smul.u32 $0xF7A, s1;
	s8 =	simm.s32 @!p0 $0x1BF5;
	p2 =	por !p2, p0  }
0x20: {  	[sflag:s8] =	ssyncset.s32 @!p0 $0xFFFFF086;
	s6 =	sadd.s32 @!p0 s3, s7;
	s7 =	simm.s32 @!p0 $0x108  }
0x21: {  	s3 =	sadd.s32 s3, s9;
	s6 =	sadd.s32 @!p0 $0x88, s6;
	s7 =	simm.s32 @p2 $0x1082  }
0x22: {  	[simem:s7], [sflag:s8] =	dma.local @!p0 [hbm:s6], $0xF7A  }
0x23: {  	s9 =	sor.u32 $0xD0000000, s2;
	s6 =	simm.s32 $0x108;
	_ =	swait.ge @!p0 [sflag:s8], $0x0  }
0x24: {  	s3 =	sadd.s32 $0x88, s3;
	s6 =	simm.s32 @!p1 $0x1082;
	[sflag:s4] =	ssyncset.s32 $0xFFFFF086  }
0x25: {  	[simem:s6], [sflag:s4] =	dma.local [hbm:s3], $0xF7A  }
0x26: {  	[smem:$0x3F9F] =	sst s1;
	(tag) =	ssettag s2;
	_ =	strace s9  }
0x27: {  	s1 =	sld [smem:$0x3FAF]  }
0x28: {  	s2 =	sld [smem:$0x3FB0]  }
0x29: {  	s4 =	sld [smem:$0x3FB2]  }
0x2a: {  	p0 =	seq.s32 s5, $0x0;
	s5 =	sld [smem:$0x3FB3]  }
0x2b: {  	s6 =	sld [smem:$0x3FB4]  }
0x2c: {  	s7 =	sld [smem:$0x3FB5]  }
0x2d: {  	s3 =	simm.s32 $0x108;
	s8 =	sld [smem:$0x3FB6]  }
0x2e: {  	s3 =	simm.s32 @!p0 $0x1082;
	s9 =	sld [smem:$0x3FB7]  }
0x2f: {  	lr =	sadd.s32 s0, s3;
	s0 =	sld [smem:$0x3FAE]  }
0x30: {  	s3 =	sld [smem:$0x3FB1]  }
0x31: {  	[smem:$0x3FBA] =	sst s10  }
0x32: {  	s10 =	sld [smem:$0x3FB8];
	_ =	sdelay $0x3  }
0x33: {  	p0 =	seq.s32 s10, $0x1;
	s10 =	sld [smem:$0x3FBA];
	_ =	sdelay $0x3  }
0x34: {  	[smem:$0x3FBA] =	sst s10  }
0x35: {  	s10 =	sld [smem:$0x3FB9];
	_ =	sdelay $0x3  }
0x36: {  	p1 =	seq.s32 s10, $0x1;
	s10 =	sld [smem:$0x3FBA];
	_ =	sdelay $0x3  }
0x37: {  	[smem:$0x3FBA] =	sst s10  }
0x38: {  	s10 =	sld [smem:$0x3FBB]  }
0x39: {  	_ = 	snop;
	(pc) =	sbr.ind lr, $3  }
0x3a: {  	_ = 	snop  }
0x3b: {  	_ = 	snop  }
0x3c: {  	p2 =	seq.s32 s10, $0x1;
	s10 =	sld [smem:$0x3FBA]  }
0x3d: {  	_ =	shalt  }
0x3e: {  	_ =	shalt  }
0x3f: {  	_ =	shalt  }
0x40: {  	_ =	shalt  }
0x41: {  	_ =	shalt  }
0x42: {  	_ =	shalt  }
0x43: {  	_ =	shalt  }
0x44: {  	_ =	shalt  }
0x45: {  	_ =	shalt  }
0x46: {  	_ =	shalt  }
0x47: {  	_ =	shalt  }
0x48: {  	_ =	shalt  }
0x49: {  	_ =	shalt  }
0x4a: {  	_ =	shalt  }
0x4b: {  	_ =	shalt  }
0x4c: {  	_ =	shalt  }
0x4d: {  	_ =	shalt  }
0x4e: {  	_ =	shalt  }
0x4f: {  	_ =	shalt  }
0x50: {  	_ =	shalt  }
0x51: {  	_ =	shalt  }
0x52: {  	_ =	shalt  }
0x53: {  	_ =	shalt  }
0x54: {  	_ =	shalt  }
0x55: {  	_ =	shalt  }
0x56: {  	_ =	shalt  }
0x57: {  	_ =	shalt  }
0x58: {  	_ =	shalt  }
0x59: {  	_ =	shalt  }
0x5a: {  	_ =	shalt  }
0x5b: {  	_ =	shalt  }
0x5c: {  	_ =	shalt  }
0x5d: {  	_ =	shalt  }
0x5e: {  	_ =	shalt  }
0x5f: {  	_ =	shalt  }
0x60: {  	_ =	shalt  }
0x61: {  	_ =	shalt  }
0x62: {  	_ =	shalt  }
0x63: {  	_ =	shalt  }
0x64: {  	_ =	shalt  }
0x65: {  	_ =	shalt  }
0x66: {  	_ =	shalt  }
0x67: {  	_ =	shalt  }
0x68: {  	_ =	shalt  }
0x69: {  	_ =	shalt  }
0x6a: {  	_ =	shalt  }
0x6b: {  	_ =	shalt  }
0x6c: {  	_ =	shalt  }
0x6d: {  	_ =	shalt  }
0x6e: {  	_ =	shalt  }
0x6f: {  	_ =	shalt  }
0x70: {  	_ =	shalt  }
0x71: {  	_ =	shalt  }
0x72: {  	_ =	shalt  }
0x73: {  	_ =	shalt  }
0x74: {  	_ =	shalt  }
0x75: {  	_ =	shalt  }
0x76: {  	_ =	shalt  }
0x77: {  	_ =	shalt  }
0x78: {  	_ =	shalt  }
0x79: {  	_ =	shalt  }
0x7a: {  	_ =	shalt  }
0x7b: {  	_ =	shalt  }
0x7c: {  	_ =	shalt  }
0x7d: {  	_ =	shalt  }
0x7e: {  	_ =	shalt  }
0x7f: {  	_ =	shalt  }
0x80: {  	_ =	shalt  }
0x81: {  	_ =	shalt  }
0x82: {  	_ =	shalt  }
0x83: {  	_ =	shalt  }
0x84: {  	_ =	shalt  }
0x85: {  	_ =	shalt  }
0x86: {  	_ =	shalt  }
0x87: {  	_ =	shalt  }
.Lfunc_end0:
.L_simem_size_0:
called_computation_lowered:
.L_overlay_start_0:
0x88: {  	s0 =	sld [smem:$0x3FD9]  }
0x89: {  	s1 =	sld [smem:$0x3FFE];
	_ =	sdelay $0x3  }
0x8a: {  	s0 =	sadd.s32 s1, s0  }
0x8b: {  	[smem:$0x3FC6] =	sst s0  }
0x8c: {  	_ = 	snop  }
0x8d: {  	s0 =	sld [smem:$0x3FD0];
	_ =	sdelay $0x2  }
0x8e: {  	s13 =	simm.s32 $0xA;
	s2 =	simm.s32 $0x10  }
0x8f: {  	[smem:s2], [sflag:s13] =	dma.local [hbm:s0], $0x1  }
0x90: {  	_ =	swait.eq [sflag:s13], $0x1  }
0x91: {  	[sflag:s13] =	ssyncset.done $0x0  }
0x92: {  	s14 =	sld [smem:$0x11];
	[sflag:s13] =	ssyncadd.s32 $0xFFFFFFFF  }
0x93: {  	s15 =	sld [smem:$0x12];
	(tm) =	ssettm $0x1  }
0x94: {  	s16 =	sld [smem:$0x3FFB];
	_ =	sdelay $0x3  }
0x95: {  	_ =	strace s16  }
0x96: {  	s2 =	sld [smem:$0x3FFC];
	_ =	sdelay $0x3  }
0x97: {  	_ =	strace s2  }
0x98: {  	s2 =	sld [smem:$0x3FFD];
	_ =	sdelay $0x3  }
0x99: {  	_ =	strace s2  }
0x9a: {  	_ =	strace $0x8FFFFFFF  }
0x9b: {  	s17 =	sld [smem:$0x3FDB];
	_ =	sdelay $0x1  }
0x9c: {  	s3 =	simm.s32 $_scs_section_size  }
0x9d: {  	s4 =	simm.s32 $_size__tile_overlayer_lowered;
	s5 =	simm.s32 $_tile_overlayer_lowered  }
0x9e: {  	s20 =	simm.s32 $0x1BFF;
	s19 =	sshll.u32 s5, $0x1;
	s2 =	sadd.s32 s3, s17  }
0x9f: {  	s6 =	simm.s32 $0x0;
	s18 =	sshll.u32 s4, $0x1;
	s4 =	sadd.s32 s19, s2  }
0xa0: {  	[timem:s6], [sflag:s20] =	dma.local [hbm:s4], s18  }
0xa1: {  	_ =	swait.ge [sflag:s20], s18  }
0xa2: {  	s3 =	ssub.s32 $0x0, s18;
	[sflag:s20] =	ssyncset.done $0x0  }
0xa3: {  	[sflag:s20] =	ssyncadd.s32 s3;
	_ =	sdelay $0x1  }
0xa4: {  	s21 =	simm.s32 $0x1B8B  }
0xa5: {  	_ =	swait.ge [sflag:s21], $0x1  }
0xa6: {  	[sflag:s21] =	ssyncset.done $0x0  }
0xa7: {  	s23 =	simm.s32 $0x1B8E;
	s22 =	sld [smem:$0x3FFE];
	[sflag:s21] =	ssyncadd.s32 $0xFFFFFFFF  }
0xa8: {  	s24 =	simm.s32 $execute0_lowered;
	[smem:$0x3FD2] =	sst s23  }
0xa9: {  	s4 =	sshll.u32 s24, $0x1;
	_ =	strace $0x80000046;
	[dreg:$0x1] =	wrdreg $0xFFFFFFFF  }
0xaa: {  	s25 =	simm.s32 $_size_execute0_lowered;
	s2 =	sadd.s32 s2, s4;
	[dreg:$0x0] =	wrdreg $0x0  }
0xab: {  	s4 =	sshll.u32 s25, $0x1;
	[dreg:$0x2] =	wrdreg s2  }
0xac: {  	[dreg:$0x3] =	wrdreg s4  }
0xad: {  	[dreg:$0x4] =	wrdreg $0xC0  }
0xae: {  	_ =	task [dreg:s6], $0x5FFFF  }
0xaf: {  	[dreg:$0x1] =	wrdreg $0xFFFFFFFF  }
0xb0: {  	[dreg:$0x0] =	wrdreg $0x60  }
0xb1: {  	[dreg:$0x2] =	wrdreg s15  }
0xb2: {  	[dreg:$0x3] =	wrdreg s22  }
0xb3: {  	[dreg:$0x4] =	wrdreg s14  }
0xb4: {  	[dreg:$0x5] =	wrdreg $0x6800  }
0xb5: {  	[dreg:$0x6] =	wrdreg $0x8C00  }
0xb6: {  	[dreg:$0x7] =	wrdreg $0x9  }
0xb7: {  	_ =	task.clear_ibuf [dreg:s6], $0x8FFFF;
	_ =	strace $0x90000046  }
0xb8: {  	s26 =	simm.s32 $0x9;
	_ =	strace $0x80000048  }
0xb9: {  	_ =	swait.ge [sflag:s26], $0x1  }
0xba: {  	[sflag:s26] =	ssyncadd.s32 $0xFFFFFFFF  }
0xbb: {  	_ =	strace $0x90000048  }
0xbc: {  	_ =	sfence  }
0xbd: {  	s28 =	sld [smem:$0x0];
	_ =	sdelay $0x1  }
0xbe: {  	s29 =	srdreg.scid  }
0xbf: {  	s30 =	sshll.u32 s29, $0xD;
	s31 =	sshrl.u32 s29, $0x2  }
0xc0: {  	s1 =	sand.u32 $0x1, s29;
	s2 =	sand.u32 $0x4000, s30;
	s0 =	sadd.s32 s31, s28  }
0xc1: {  	s1 =	sor.u32 s2, s1;
	s0 =	sshll.u32 s0, $0x11  }
0xc2: {  	s0 =	sor.u32 s0, s1  }
0xc3: {  	s0 =	sadd.s32 $0x8F2B, s0  }
0xc4: {  	[sflag:s0] =	ssyncadd.remote.s32 $0x1  }
0xc5: {  	_ =	sfence.sel $0xFFFF  }
0xc6: {  	[dreg:$0x0] =	wrdreg $0xFFFFFFFF;
	(pc) =	sbr.abs _section_cstart, $3  }
0xc7: {  	[dreg:$0x1] =	wrdreg $0xFFFFFFFF  }
0xc8: {  	_ =	task.clear_ibuf [dreg:s6], $0x2FFFF;
	_ =	strace $0x9FFFFFFF  }
0xc9: {  	(tm) =	ssettm $0x7FFFFFFF  }
tec
execute0_lowered:
.L_overlay_start_1:
0x0: {  	(tag) =	ssettag $0x1  }
0x1: {  	s7 =	rddreg [dreg:$0x0]  }
0x2: {  	s1 =	rddreg [dreg:$0x1]  }
0x3: {  	s3 =	rddreg [dreg:$0x2]  }
0x4: {  	s5 =	rddreg [dreg:$0x3]  }
0x5: {  	s4 =	rddreg [dreg:$0x4];
	s14 =	simm.s32 $0x0  }
0x6: {  	s10 =	stileid.u32;
	[smem:$0x7FF] =	sst s14  }
0x7: {  	s0 =	rddreg [dreg:$0x5];
	p0 =	sne.s32 s10, $0x0;
	_ =	strace $0x80000047  }
0x8: {  	s2 =	sshrl.u32 @!p0 s5, $0x3;
	s6 =	simm.s32 @!p0 $0x1C02;
	s9 =	simm.s32 @!p0 $0x2  }
0x9: {  	[spmem:s2], [sflag:s6] =	dma.local @!p0 [hbm:s3], $0x480  }
0xa: {  	_ =	swait.ge @!p0 [sflag:s9], $0x480  }
0xb: {  	[sflag:s9] =	ssyncset.done @!p0 $0x0  }
0xc: {  	s8 =	sadd.s32 $0x1600, s1;
	s3 =	sshrl.u32 @!p0 s4, $0x3;
	[sflag:s9] =	ssyncadd.s32 @!p0 $0xFFFFFB80  }
0xd: {  	[spmem:s3], [sflag:s6] =	dma.local @!p0 [hbm:s8], $0x480  }
0xe: {  	_ =	swait.ge @!p0 [sflag:s9], $0x480  }
0xf: {  	s8 =	sshll.u32 s10, $0x7;
	[sflag:s9] =	ssyncset.done @!p0 $0x0  }
0x10: {  	s21 =	sadd.s32 s7, s8;
	s15 =	sor.u32 $0x10, s8;
	[sflag:s9] =	ssyncadd.s32 @!p0 $0xFFFFFB80  }
0x11: {  	[tilespmem:s14], [sflag:$0x1] =	stream.linear.gather [hbm4b:s21+s14], $0x80, $0x38;
	[tilespmem:$0xB00] =	vst v63  }
0x12: {  	s6 =	simm.s32 $0x80;
	s13 =	sor.u32 $0x20, s8;
	s22 =	sadd.s32 s7, s15  }
0x13: {  	[tilespmem:s6], [sflag:$0x1] =	stream.linear.gather [hbm4b:s22+s14], $0x80, $0x38;
	[tilespmem:$0xB00] =	vst v63  }
0x14: {  	s11 =	simm.s32 $0x100;
	s12 =	sor.u32 $0x30, s8;
	s23 =	sadd.s32 s7, s13  }
0x15: {  	[tilespmem:s11], [sflag:$0x1] =	stream.linear.gather [hbm4b:s23+s14], $0x80, $0x38;
	[tilespmem:$0xB00] =	vst v63  }
0x16: {  	s16 =	simm.s32 $0x180;
	s25 =	sor.u32 $0x40, s8;
	s24 =	sadd.s32 s7, s12  }
0x17: {  	[tilespmem:s16], [sflag:$0x1] =	stream.linear.gather [hbm4b:s24+s14], $0x80, $0x38;
	[tilespmem:$0xB00] =	vst v63  }
0x18: {  	s17 =	simm.s32 $0x200;
	s28 =	sor.u32 $0x50, s8;
	s26 =	sadd.s32 s7, s25  }
0x19: {  	[tilespmem:s17], [sflag:$0x1] =	stream.linear.gather [hbm4b:s26+s14], $0x80, $0x38;
	[tilespmem:$0xB00] =	vst v63  }
0x1a: {  	s29 =	simm.s32 $0x280;
	s7 =	sadd.s32 s7, s28  }
0x1b: {  	[tilespmem:s29], [sflag:$0x1] =	stream.linear.gather [hbm4b:s7+s14], $0x80, $0x38;
	[tilespmem:$0xB00] =	vst v63  }
0x1c: {  	s31 =	simm.s32 $0x300;
	s30 =	sadd.s32 $0x1400, s1;
	s7 =	simm.s32 $0x1  }
0x1d: {  	[tilespmem:s31], [sflag:$0x1] =	stream.linear.gather [hbm4b:s30+s14], $0x80, $0x38;
	[tilespmem:$0xB00] =	vst v63  }
0x1e: {  	_ =	swait.ge [sflag:s7], $0x80  }
0x1f: {  	[sflag:s7] =	ssyncset.done $0x0  }
0x20: {  	[sflag:s7] =	ssyncadd.s32 $0xFFFFFF80  }
0x21: {  	_ =	swait.ge [sflag:s7], $0x80  }
0x22: {  	[sflag:s7] =	ssyncset.done $0x0  }
0x23: {  	[sflag:s7] =	ssyncadd.s32 $0xFFFFFF80  }
0x24: {  	_ =	swait.ge [sflag:s7], $0x80  }
0x25: {  	[sflag:s7] =	ssyncset.done $0x0  }
0x26: {  	[sflag:s7] =	ssyncadd.s32 $0xFFFFFF80  }
0x27: {  	_ =	swait.ge [sflag:s7], $0x80  }
0x28: {  	[sflag:s7] =	ssyncset.done $0x0  }
0x29: {  	[sflag:s7] =	ssyncadd.s32 $0xFFFFFF80  }
0x2a: {  	_ =	swait.ge [sflag:s7], $0x80  }
0x2b: {  	[sflag:s7] =	ssyncset.done $0x0  }
0x2c: {  	[sflag:s7] =	ssyncadd.s32 $0xFFFFFF80  }
0x2d: {  	_ =	swait.ge [sflag:s7], $0x80  }
0x2e: {  	[sflag:s7] =	ssyncset.done $0x0  }
0x2f: {  	[sflag:s7] =	ssyncadd.s32 $0xFFFFFF80  }
0x30: {  	_ =	swait.ge [sflag:s7], $0x80  }
0x31: {  	[sflag:s7] =	ssyncset.done $0x0  }
0x32: {  	[sflag:s7] =	ssyncadd.s32 $0xFFFFFF80  }
0x33: {  	v2 =	vld [tilespmem:$0x0]  }
0x34: {  	v3 =	vld [tilespmem:$0x80]  }
0x35: {  	v4 =	vld [tilespmem:$0x100]  }
0x36: {  	v5 =	vld [tilespmem:$0x180]  }
0x37: {  	v6 =	vld [tilespmem:$0x200]  }
0x38: {  	v15 =	vld [tilespmem:$0x10]  }
0x39: {  	v17 =	vld [tilespmem:$0x90]  }
0x3a: {  	v42 =	vld [tilespmem:$0x110]  }
0x3b: {  	v22 =	vld [tilespmem:$0x190]  }
0x3c: {  	v43 =	vld [tilespmem:$0x20]  }
0x3d: {  	v28 =	vld [tilespmem:$0xA0]  }
0x3e: {  	v45 =	vld [tilespmem:$0x120]  }
0x3f: {  	v0 =	vlaneseq.u32;
	v48 =	vld [tilespmem:$0x1A0]  }
0x40: {  	v1 =	vor.u32 $0x80, v0;
	v7 =	vor.u32 s8, v0;
	v57 =	vld [tilespmem:$0xB0];
	v2 =	vtrunc.f32 v2  }
0x41: {  	s10 =	sshll.u32 s10, $0x8;
	v11 =	vor.u32 s15, v0;
	v61 =	vld [tilespmem:$0x130];
	v3 =	vtrunc.f32 v3;
	v41 =	vtrunc.f32 v4  }
0x42: {  	s18 =	sadd.s32 $0x1420, s10;
	v16 =	vor.u32 s13, v0;
	v32 =	vld [tilespmem:$0x30];
	v5 =	vtrunc.f32 v5;
	v17 =	vtrunc.f32 v17  }
0x43: {  	v18 =	vor.u32 s18, v0;
	v40 =	vld [tilespmem:$0x140];
	v4 =	vtrunc.f32 v42;
	v44 =	vtrunc.f32 v22  }
0x44: {  	s19 =	sadd.s32 $0x1430, s10;
	v20 =	vor.u32 s18, v1;
	v49 =	vtrunc.f32 v15;
	v54 =	vtrunc.f32 v43  }
0x45: {  	v24 =	vor.u32 s19, v0;
	v55 =	vtrunc.f32 v28;
	v22 =	vtrunc.f32 v45  }
0x46: {  	s20 =	sadd.s32 $0x1440, s10;
	v25 =	vor.u32 s19, v1;
	v8 =	vld [tilespmem:$0x280];
	v60 =	vtrunc.f32 v48;
	v33 =	vtrunc.f32 v57  }
0x47: {  	v29 =	vor.u32 s20, v0;
	s16 =	sadd.s32 $0x1400, s10;
	v56 =	vld [tilespmem:$0x2A0];
	[tilespmem:$0x580] =	vst v6;
	v36 =	vtrunc.f32 v61;
	v6 =	vtrunc.f32 v32  }
0x48: {  	v9 =	vor.u32 s16, v0;
	v12 =	vld [tilespmem:$0x300];
	v15 =	vtrunc.f32 v40;
	v2 =	vcvt.f32.s32 v2  }
0x49: {  	v10 =	vor.u32 s16, v1;
	s17 =	sadd.s32 $0x1410, s10;
	v23 =	vld [tilespmem:$0x210];
	v19 =	vcvt.f32.s32 v3;
	v21 =	vcvt.f32.s32 v41  }
0x4a: {  	v13 =	vor.u32 s17, v0;
	v27 =	vld [tilespmem:$0x300];
	v5 =	vcvt.f32.s32 v5;
	v17 =	vcvt.f32.s32 v17  }
0x4b: {  	v14 =	vor.u32 s17, v1;
	v50 =	vld [tilespmem:$0x300];
	v4 =	vcvt.f32.s32 v4;
	v46 =	vcvt.f32.s32 v44  }
0x4c: {  	s21 =	sadd.s32 $0x1450, s10;
	v53 =	vld [tilespmem:$0x220];
	[tilespmem:$0x620] =	vst v56;
	v56 =	vor.u32 s20, v1;
	v51 =	vcvt.f32.s32 v49;
	v59 =	vcvt.f32.s32 v22  }
0x4d: {  	[tilespmem:$0x480] =	vst v7;
	v30 =	vld [tilespmem:$0x300];
	v28 =	vor.u32 s21, v0;
	v62 =	vcvt.f32.s32 v60;
	v38 =	vcvt.f32.s32 v36  }
0x4e: {  	[tilespmem:$0x500] =	vst v7;
	v37 =	vld [tilespmem:$0xC0];
	v3 =	vor.u32 s12, v0;
	v44 =	vcvt.f32.s32 v6;
	v12 =	vperm.xlane v12, v19  }
0x4f: {  	v34 =	vld [tilespmem:$0x40];
	[tilespmem:$0x490] =	vst v11;
	v26 =	vmul.u32 $0x280, v2;
	v2 =	vor.u32 s25, v0;
	vm0 =	vlt.s32 v21, $0x280  }
0x50: {  	[tilespmem:$0x510] =	vst v11;
	v22 =	vld [tilespmem:$0x1B0];
	v19 =	vmul.u32 $0x280, v19;
	v47 =	vperm.xlane v27, v17;
	vm14 =	vlt.s32 v4, $0x280  }
0x51: {  	[tilespmem:$0x4A0] =	vst v16;
	v49 =	vld [tilespmem:$0xD0];
	v58 =	vmul.u32 $0x280, v17;
	vm4 =	vlt.s32 v59, $0x280;
	vm6 =	vlt.s32 v38, $0x280  }
0x52: {  	[tilespmem:$0x520] =	vst v16;
	v45 =	vld [tilespmem:$0x230];
	v5 =	vadd.s32 v5, v12;
	v21 =	vadd.s32 v21, v26;
	v52 =	vadd.s32 v46, v47  }
0x53: {  	[tilespmem:$0x600] =	vst v8;
	v42 =	vld [tilespmem:$0x1C0];
	v47 =	vtrunc.f32 v37;
	vm1 =	vlt.s32 v5, $0x280;
	v9 =	vsel vm0, v21, v9  }
0x54: {  	[tilespmem:$0x590] =	vst v23;
	v43 =	vld [tilespmem:$0x300];
	v5 =	vadd.s32 v19, v5;
	vm15 =	vlt.s32 v52, $0x280;
	v21 =	vcvt.f32.s32 v55  }
0x55: {  	v48 =	vld [tilespmem:$0x50];
	[tilespmem:$0x5A0] =	vst v53;
	v7 =	vadd.s32 v58, v52;
	v39 =	vtrunc.f32 v22;
	v52 =	vcvt.f32.s32 v15  }
0x56: {  	v57 =	vld [tilespmem:$0x240];
	v60 =	vtrunc.f32 v49;
	v5 =	vsel vm1, v5, v10;
	[tilespmem:$0x380] =	vst v9;
	v9 =	vmul.u32 $0x280, v51  }
0x57: {  	s22 =	sadd.s32 $0x1460, s10;
	v12 =	vld [tilespmem:$0x290];
	[tilespmem:$0x5B0] =	vst v45;
	v7 =	vsel vm15, v7, v14;
	v41 =	vcvt.f32.s32 v39;
	v10 =	vcvt.f32.s32 v47  }
0x58: {  	v46 =	vld [tilespmem:$0x2B0];
	v47 =	vor.u32 s22, v1;
	[tilespmem:$0x400] =	vst v5;
	v63 =	vperm.xlane v50, v21;
	v5 =	vcvt.f32.s32 v54  }
0x59: {  	v45 =	vld [tilespmem:$0x170];
	[tilespmem:$0x410] =	vst v7;
	v35 =	vmul.u32 $0x280, v21;
	v7 =	vcvt.f32.s32 v33;
	vm8 =	vlt.s32 v52, $0x280  }
0x5a: {  	v53 =	vld [tilespmem:$0x1D0];
	[tilespmem:$0x4B0] =	vst v3;
	v4 =	vadd.s32 v4, v9;
	v9 =	vtrunc.f32 v34;
	v61 =	vmul.u32 $0x280, v10  }
0x5b: {  	[tilespmem:$0x530] =	vst v3;
	v58 =	vld [tilespmem:$0x2C0];
	v4 =	vsel vm14, v4, v13;
	v31 =	vadd.s32 v62, v63;
	v8 =	vperm.xlane v30, v7  }
0x5c: {  	[tilespmem:$0x5C0] =	vst v57;
	v51 =	vld [tilespmem:$0x150];
	v5 =	vmul.u32 $0x280, v5;
	v9 =	vcvt.f32.s32 v9;
	v13 =	vtrunc.f32 v42  }
0x5d: {  	v55 =	vld [tilespmem:$0x300];
	[tilespmem:$0x610] =	vst v12;
	v7 =	vmul.u32 $0x280, v7;
	v12 =	vperm.xlane v43, v10;
	v62 =	vcvt.f32.s32 v60  }
0x5e: {  	v37 =	vld [tilespmem:$0x2D0];
	[tilespmem:$0x630] =	vst v46;
	v42 =	vor.u32 s28, v0;
	v46 =	vor.u32 s22, v0;
	v57 =	vtrunc.f32 v45  }
0x5f: {  	s23 =	sor.u32 $0x60, s8;
	[tilespmem:$0x390] =	vst v4;
	vm5 =	vlt.s32 v31, $0x280;
	v4 =	vadd.s32 v35, v31;
	v50 =	vcvt.f32.s32 v13  }
0x60: {  	v21 =	vld [tilespmem:$0xE0];
	[tilespmem:$0x640] =	vst v58;
	v58 =	vor.u32 s23, v0;
	v5 =	vadd.s32 v59, v5;
	v4 =	vsel vm5, v4, v20  }
0x61: {  	[tilespmem:$0x4C0] =	vst v2;
	v8 =	vadd.s32 v41, v8;
	v59 =	vtrunc.f32 v48;
	v19 =	vtrunc.f32 v51  }
0x62: {  	[tilespmem:$0x540] =	vst v2;
	v9 =	vmul.u32 $0x280, v9;
	v20 =	vtrunc.f32 v53;
	v23 =	vperm.xlane v55, v62  }
0x63: {  	v39 =	vld [tilespmem:$0x70];
	[tilespmem:$0x650] =	vst v37;
	v34 =	vmul.u32 $0x280, v62;
	v5 =	vsel vm4, v5, v18;
	vm7 =	vlt.s32 v8, $0x280  }
0x64: {  	[tilespmem:$0x4D0] =	vst v42;
	v7 =	vadd.s32 v7, v8;
	v54 =	vadd.s32 v50, v12;
	v22 =	vcvt.f32.s32 v20  }
0x65: {  	v33 =	vld [tilespmem:$0x250];
	v36 =	vtrunc.f32 v21;
	[tilespmem:$0x3A0] =	vst v5;
	v5 =	vmul.u32 $0x280, v44;
	v7 =	vsel vm7, v7, v25  }
0x66: {  	v63 =	vld [tilespmem:$0x60];
	[tilespmem:$0x550] =	vst v42;
	vm9 =	vlt.s32 v54, $0x280;
	v8 =	vadd.s32 v52, v9;
	v9 =	vcvt.f32.s32 v59  }
0x67: {  	s24 =	sadd.s32 $0x1470, s10;
	v27 =	vld [tilespmem:$0x1E0];
	[tilespmem:$0x4E0] =	vst v58;
	v3 =	vadd.s32 v61, v54;
	v25 =	vcvt.f32.s32 v19;
	v10 =	vcvt.f32.s32 v36  }
0x68: {  	s8 =	sor.u32 $0x70, s8;
	v31 =	vld [tilespmem:$0x300];
	[tilespmem:$0x560] =	vst v58;
	v52 =	vtrunc.f32 v39;
	v59 =	vcvt.f32.s32 v57;
	v61 =	vor.u32 s24, v0  }
0x69: {  	v41 =	vld [tilespmem:$0xF0];
	[tilespmem:$0x420] =	vst v4;
	v0 =	vor.u32 s8, v0;
	v18 =	vsel vm8, v8, v29;
	v3 =	vsel vm9, v3, v56  }
0x6a: {  	v53 =	vld [tilespmem:$0x260];
	[tilespmem:$0x5D0] =	vst v33;
	v29 =	vor.u32 s21, v1;
	v30 =	vadd.s32 v22, v23;
	v5 =	vadd.s32 v38, v5  }
0x6b: {  	[tilespmem:$0x430] =	vst v7;
	v35 =	vtrunc.f32 v63;
	v26 =	vmul.u32 $0x280, v9;
	v5 =	vsel vm6, v5, v24;
	v24 =	vld [tilespmem:$0x160]  }
0x6c: {  	v48 =	vld [tilespmem:$0x1F0];
	[tilespmem:$0x4F0] =	vst v0;
	vm10 =	vlt.s32 v25, $0x280;
	vm11 =	vlt.s32 v30, $0x280;
	v8 =	vcvt.f32.s32 v35  }
0x6d: {  	v50 =	vld [tilespmem:$0x300];
	[tilespmem:$0x440] =	vst v3;
	v3 =	vadd.s32 v34, v30;
	v9 =	vtrunc.f32 v27;
	v4 =	vperm.xlane v31, v10  }
0x6e: {  	[tilespmem:$0x570] =	vst v0;
	v49 =	vmul.u32 $0x280, v10;
	v3 =	vsel vm11, v3, v29;
	v40 =	vcvt.f32.s32 v9  }
0x6f: {  	v55 =	vld [tilespmem:$0x2E0];
	[tilespmem:$0x3C0] =	vst v18;
	v54 =	vtrunc.f32 v41;
	v32 =	vadd.s32 v25, v26;
	v44 =	vmul.u32 $0x280, v8  }
0x70: {  	v62 =	vld [tilespmem:$0x270];
	[tilespmem:$0x5E0] =	vst v53;
	v56 =	vcvt.f32.s32 v54;
	v4 =	vadd.s32 v40, v4;
	v38 =	vtrunc.f32 v24  }
0x71: {  	v63 =	vld [tilespmem:$0x2F0];
	[tilespmem:$0x3B0] =	vst v5;
	v5 =	vsel vm10, v32, v28;
	vm13 =	vlt.s32 v4, $0x280;
	v43 =	vcvt.f32.s32 v38  }
0x72: {  	[tilespmem:$0x3D0] =	vst v5;
	v4 =	vadd.s32 v49, v4;
	v5 =	vtrunc.f32 v48;
	v60 =	vperm.xlane v50, v56  }
0x73: {  	[tilespmem:$0x450] =	vst v3;
	v5 =	vcvt.f32.s32 v5;
	vm12 =	vlt.s32 v43, $0x280;
	v3 =	vadd.s32 v43, v44  }
0x74: {  	[tilespmem:$0x660] =	vst v55;
	v2 =	vmul.u32 $0x280, v56;
	v51 =	vsel vm12, v3, v46;
	v3 =	vcvt.f32.s32 v52  }
0x75: {  	v1 =	vor.u32 s24, v1;
	[tilespmem:$0x5F0] =	vst v62;
	v4 =	vsel vm13, v4, v47;
	v5 =	vadd.s32 v5, v60  }
0x76: {  	[tilespmem:$0x670] =	vst v63;
	vm15 =	vlt.s32 v5, $0x280;
	v2 =	vadd.s32 v2, v5;
	v3 =	vmul.u32 $0x280, v3  }
0x77: {  	[tilespmem:$0x460] =	vst v4;
	v1 =	vsel vm15, v2, v1  }
0x78: {  	vm14 =	vlt.s32 v59, $0x280;
	[tilespmem:$0x470] =	vst v1;
	v3 =	vadd.s32 v59, v3  }
0x79: {  	[tilespmem:$0x3E0] =	vst v51;
	v3 =	vsel vm14, v3, v61  }
0x7a: {  	[tilespmem:$0x3F0] =	vst v3  }
0x7b: {  	s26 =	simm.s32 $0x480;
	s25 =	simm.s32 $0x380;
	[bflag:$0x0] =	sbarrier.arrive $0xFFFF  }
0x7c: {  	[spmem:s5] =	stream.indirect.scatter [tilespmem:s26], [sflag:$0x1], $0x1, s25, s6, $0xb8;
	[tilespmem:$0xB00] =	vst v63  }
0x7d: {  	s29 =	simm.s32 $0x500;
	s28 =	simm.s32 $0x400  }
0x7e: {  	[spmem:s5] =	stream.indirect.scatter [tilespmem:s29], [sflag:$0x1], $0x1, s28, s6, $0xb8;
	[tilespmem:$0xB00] =	vst v63  }
0x7f: {  	s30 =	simm.s32 $0x580  }
0x80: {  	[spmem:s4] =	stream.indirect.scatter [tilespmem:s30], [sflag:$0x1], $0x1, s25, s6, $0xb8;
	[tilespmem:$0xB00] =	vst v63  }
0x81: {  	s31 =	simm.s32 $0x600  }
0x82: {  	[spmem:s4] =	stream.indirect.scatter [tilespmem:s31], [sflag:$0x1], $0x1, s28, s6, $0xb8;
	[tilespmem:$0xB00] =	vst v63  }
0x83: {  	_ =	swait.ge [sflag:s7], $0x80  }
0x84: {  	[sflag:s7] =	ssyncset.done $0x0  }
0x85: {  	[sflag:s7] =	ssyncadd.s32 $0xFFFFFF80  }
0x86: {  	_ =	swait.ge [sflag:s7], $0x80  }
0x87: {  	[sflag:s7] =	ssyncset.done $0x0  }
0x88: {  	[sflag:s7] =	ssyncadd.s32 $0xFFFFFF80  }
0x89: {  	_ =	swait.ge [sflag:s7], $0x80  }
0x8a: {  	[sflag:s7] =	ssyncset.done $0x0  }
0x8b: {  	[sflag:s7] =	ssyncadd.s32 $0xFFFFFF80  }
0x8c: {  	_ =	swait.ge [sflag:s7], $0x80  }
0x8d: {  	[sflag:s7] =	ssyncset.done $0x0  }
0x8e: {  	[sflag:s7] =	ssyncadd.s32 $0xFFFFFF80  }
0x8f: {  	[bflag:$0x0] =	sbarrier.arrive $0xFFFF  }
0x90: {  	_ =	sfence.sel @p0 $0x180000  }
0x91: {  	[bflag:$0x0] =	sbarrier.arrive @p0 $0xFFFF  }
0x92: {  	s5 =	simm.s32 @!p0 $0x1C01;
	_ =	strace @p0 $0x90000047  }
0x93: {  	s4 =	sadd.s32 $0x1C00, s1;
	s1 =	sadd.s32 $0x2000, s1;
	[bflag:$0x2] =	sbarrier.arrive @p0 $0xFFFF  }
0x94: {  	[hbm:s4], [sflag:s5] =	dma.local @!p0 [spmem:s2], $0x280  }
0x95: {  	[hbm:s1], [sflag:s5] =	dma.local @!p0 [spmem:s3], $0x280  }
0x96: {  	s1 =	simm.s32 @!p0 $0x1  }
0x97: {  	_ =	swait.ge @!p0 [sflag:s1], $0x280  }
0x98: {  	[sflag:s1] =	ssyncset.done @!p0 $0x0  }
0x99: {  	[sflag:s1] =	ssyncadd.s32 @!p0 $0xFFFFFD80  }
0x9a: {  	_ =	swait.ge @!p0 [sflag:s1], $0x280  }
0x9b: {  	[sflag:s1] =	ssyncset.done @!p0 $0x0  }
0x9c: {  	[sflag:s1] =	ssyncadd.s32 @!p0 $0xFFFFFD80  }
0x9d: {  	_ =	sfence.sel @!p0 $0x180000  }
0x9e: {  	[bflag:$0x0] =	sbarrier.arrive @!p0 $0xFFFF  }
0x9f: {  	_ =	strace @!p0 $0x90000047  }
0xa0: {  	s0 =	sadd.s32 @!p0 $0x100000, s0;
	[bflag:$0x2] =	sbarrier.arrive @!p0 $0xFFFF  }
0xa1: {  	[sflag:s0] =	ssyncadd.tile.s32 @!p0 $0x1;
	_ =	shalt  }
.Lfunc_end2:
_tile_overlayer_lowered:
.L_overlay_start_2:
0xa2: {  	(tag) =	ssettag $0x2  }
0xa3: {  	s0 =	rddreg [dreg:$0x0];
	s2 =	stileid.u32  }
0xa4: {  	s1 =	rddreg [dreg:$0x1];
	p0 =	sne.s32 s2, $0x0  }
0xa5: {  	s3 =	rddreg [dreg:$0x2];
	[bflag:$0x3] =	sbarrier.arrive $0xFFFF;
	s2 =	simm.s32 @!p0 $0x1C02  }
0xa6: {  	[timem:s3], [sflag:s2] =	dma.local @!p0 [hbm:s0], s1  }
0xa7: {  	s0 =	simm.s32 @!p0 $0x2  }
0xa8: {  	_ =	swait.ge @!p0 [sflag:s0], s1  }
0xa9: {  	s1 =	ssub.s32 @!p0 $0x0, s1;
	[sflag:s0] =	ssyncset.done @!p0 $0x0  }
0xaa: {  	[sflag:s0] =	ssyncadd.s32 @!p0 s1  }
0xab: {  	[bflag:$0x3] =	sbarrier.arrive $0xFFFF  }
0xac: {  	_ =	shalt  }

</sc_bundles>
